<compile_context>
chip_gen: v7x
topology: tpu7x:2x2x1
jax: 0.10.2.dev20260603
libtpu: 0.0.44.dev20260713+nightly
codegen_flags: <defaults>
</compile_context>

<pallas_src>
import functools

import jax
import jax.numpy as jnp
from jax import lax
from jax.experimental import pallas as pl
from jax.experimental.pallas import tpu as pltpu
from jax.experimental.pallas import tpu_sc as plsc

VOCAB_ROWS = 1000000
B_DIM, T_DIM = 4096, 200
B = B_DIM * T_DIM
D = 64
NC, NS = 2, 16
NW = NC * NS
B_W = B // NW
CHUNK = 128
C_W = B_W // CHUNK
G = 5
ROWS_G = CHUNK * G
N_GRP = C_W // G
N_PAIR = N_GRP // 2


def _sc_gather(idx2d, table2m):
    mesh = plsc.VectorSubcoreMesh(core_axis_name="c", subcore_axis_name="s")

    @functools.partial(
        pl.kernel,
        out_type=jax.ShapeDtypeStruct((B, 2 * D), jnp.float32),
        mesh=mesh,
        compiler_params=pltpu.CompilerParams(use_tc_tiling_on_sc=False),
        scratch_types=[
            pltpu.VMEM((C_W, CHUNK), jnp.int32),
            pltpu.VMEM((2, ROWS_G, D), jnp.float32),
            pltpu.SemaphoreType.DMA,
            pltpu.SemaphoreType.DMA,
            pltpu.SemaphoreType.DMA,
            pltpu.SemaphoreType.DMA,
        ],
    )
    def k(idx_hbm, table_hbm, out_hbm, idx_v, rows_v, gs0, gs1, os0, os1):
        wid = lax.axis_index("s") * NC + lax.axis_index("c")
        row_base = wid * B_W
        chunk_base = wid * C_W
        gsem = (gs0, gs1)
        osem = (os0, os1)

        pltpu.sync_copy(idx_hbm.at[pl.ds(chunk_base, C_W)], idx_v)

        def out_slice(t, b):
            return out_hbm.at[
                pl.ds(row_base + (2 * t + b) * ROWS_G, ROWS_G), pl.ds(0, D)
            ]

        def fire_gathers(t, b):
            return [
                pltpu.async_copy(
                    table_hbm.at[idx_v.at[(2 * t + b) * G + j]],
                    rows_v.at[b, pl.ds(j * CHUNK, CHUNK)],
                    gsem[b],
                )
                for j in range(G)
            ]

        @pl.loop(0, N_PAIR)
        def _(t):
            @pl.when(t > 0)
            def _():
                pltpu.make_async_copy(rows_v.at[0], out_slice(t, 0), osem[0]).wait()

            d0 = fire_gathers(t, 0)

            @pl.when(t > 0)
            def _():
                pltpu.make_async_copy(rows_v.at[1], out_slice(t, 1), osem[1]).wait()

            d1 = fire_gathers(t, 1)
            for c in d0:
                c.wait()
            pltpu.async_copy(rows_v.at[0], out_slice(t, 0), osem[0])
            for c in d1:
                c.wait()
            pltpu.async_copy(rows_v.at[1], out_slice(t, 1), osem[1])

        for b in range(2):
            pltpu.make_async_copy(
                rows_v.at[b], out_slice(N_PAIR - 1, b), osem[b]
            ).wait()

    return k(idx2d, table2m)


def kernel(x, table):
    tpad = jnp.pad(table, ((0, 0), (0, D)))
    table2m = tpad.reshape(2 * VOCAB_ROWS, D)
    idx2 = (x[:, :, 1].astype(jnp.int32) * 2).reshape(B // CHUNK, CHUNK)
    out = _sc_gather(idx2, table2m)
    return out[:, :D].reshape(B_DIM, T_DIM, D)

# --- scband reference (transcript-rebuilt; emitter-appended) ---
"""Pipeline reference for scband-label-embedding-35536559407751 (READ-ONLY COPY).

The authoritative reference and input builder live on the scoring server;
editing this copy changes nothing except your own understanding.
"""

import jax, jax.numpy as jnp
import numpy as np

VOCAB = 1000000
D_MODEL = 64

def setup_inputs(seed: int = 0) -> dict:
    key = jax.random.key(seed)
    k1, k2 = jax.random.split(key)
    x = jax.random.randint(k1, (4096, 200, 3), 0, VOCAB, dtype=jnp.int64)
    table = jax.random.normal(k2, (VOCAB, D_MODEL), dtype=jnp.float32)
    return {"x": x, "table": table}

def reference(x, table):
    idx = x[:, :, 1].astype(jnp.int32)
    out = jnp.take(table, idx, axis=0)
    return out

if __name__ == "__main__":
    import jax
    _d = setup_inputs()
    print(jax.jit(kernel)(*tuple(_d.values())))

</pallas_src>

<mosaic_0001>
#map = affine_map<(d0, d1) -> (0, 0)>
module attributes {stable_mosaic.version = 14 : i64} {
  func.func @k(%arg0: i32, %arg1: i32, %arg2: memref<6400x128xi32, #tpu.memory_space<hbm>>, %arg3: memref<2000000x64xf32, #tpu.memory_space<hbm>>, %arg4: memref<819200x128xf32, #tpu.memory_space<hbm>>, %arg5: memref<200x128xi32, #tpu.memory_space<vmem>>, %arg6: memref<2x640x64xf32, #tpu.memory_space<vmem>>, %arg7: memref<!tpu.dma_semaphore, #tpu.memory_space<semaphore_mem>>, %arg8: memref<!tpu.dma_semaphore, #tpu.memory_space<semaphore_mem>>, %arg9: memref<!tpu.dma_semaphore, #tpu.memory_space<semaphore_mem>>, %arg10: memref<!tpu.dma_semaphore, #tpu.memory_space<semaphore_mem>>) attributes {dimension_semantics = [#tpu.dimension_semantics<core_parallel>, #tpu.dimension_semantics<subcore_parallel>], iteration_bounds = array<i64: 2, 16>, scalar_prefetch = 0 : i64, scratch_operands = 6 : i64, tpu.core_type = #tpu.core_type<sc_vector_subcore>, window_params = [{transform_indices = #map}, {transform_indices = #map}, {transform_indices = #map}]} {
    %mul3A = arith.constant 2 : i32
    %mul3A_0 = arith.muli %arg1, %mul3A : i32
    %add3A = arith.addi %mul3A_0, %arg0 : i32
    %mul3A_1 = arith.constant 25600 : i32
    %mul3A_2 = arith.muli %add3A, %mul3A_1 : i32
    %mul3A_3 = arith.constant 200 : i32
    %mul3A_4 = arith.muli %add3A, %mul3A_3 : i32
    "tpu.region"() ({
      %run_scoped3A = tpu.sem_alloc : memref<!tpu.dma_semaphore, #tpu.memory_space<semaphore_mem>>
      %dma_start3A = arith.constant 0 : i32
      %dma_start3A_38 = tpu.memref_slice %arg2[%mul3A_4, %dma_start3A] : memref<6400x128xi32, #tpu.memory_space<hbm>> -> memref<200x128xi32, #tpu.memory_space<hbm>>
      %dma_start3A_39 = arith.constant 0 : i32
      %dma_start3A_40 = tpu.memref_slice %arg2[%mul3A_4, %dma_start3A_39] : memref<6400x128xi32, #tpu.memory_space<hbm>> -> memref<200x128xi32, #tpu.memory_space<hbm>>
      tpu.enqueue_dma source(%dma_start3A_40 : memref<200x128xi32, #tpu.memory_space<hbm>>) target(%arg5 : memref<200x128xi32, #tpu.memory_space<vmem>>) target_semaphore(%run_scoped3A : memref<!tpu.dma_semaphore, #tpu.memory_space<semaphore_mem>>)
      %dma_wait3A_41 = arith.constant 0 : i32
      %dma_wait3A_42 = tpu.memref_slice %arg2[%mul3A_4, %dma_wait3A_41] : memref<6400x128xi32, #tpu.memory_space<hbm>> -> memref<200x128xi32, #tpu.memory_space<hbm>>
      %dma_wait3A_43 = arith.constant 0 : i32
      %dma_wait3A_44 = tpu.memref_slice %arg2[%mul3A_4, %dma_wait3A_43] : memref<6400x128xi32, #tpu.memory_space<hbm>> -> memref<200x128xi32, #tpu.memory_space<hbm>>
      tpu.wait_dma2 semaphore(%run_scoped3A : memref<!tpu.dma_semaphore, #tpu.memory_space<semaphore_mem>>) src(%dma_wait3A_44 : memref<200x128xi32, #tpu.memory_space<hbm>>) dst(%arg5 : memref<200x128xi32, #tpu.memory_space<vmem>>)
      tpu.yield
    }) : () -> ()
    %scan3A = arith.constant 0 : i32
    %scan3A_5 = arith.constant 20 : i32
    %scan3A_6 = arith.addi %scan3A, %scan3A_5 : i32
    %scan3A_7 = arith.constant 1 : i32
    scf.for %scan3A_38 = %scan3A to %scan3A_6 step %scan3A_7  : i32 {
      %mul3A_39 = arith.constant 1 : i32
      %mul3A_40 = arith.muli %scan3A_38, %mul3A_39 : i32
      %add3A_41 = arith.constant 0 : i32
      %add3A_42 = arith.addi %add3A_41, %mul3A_40 : i32
      %gt3A = arith.constant 0 : i32
      %gt3A_43 = arith.cmpi sgt, %add3A_42, %gt3A : i32
      %convert_element_type3A = arith.extui %gt3A_43 : i1 to i32
      %cond3A = arith.constant 0 : i32
      %cond3A_44 = arith.cmpi ne, %convert_element_type3A, %cond3A : i32
      scf.if %cond3A_44 {
        %mul3A_389 = arith.constant 2 : i32
        %mul3A_390 = arith.muli %mul3A_389, %add3A_42 : i32
        %add3A_391 = arith.constant 0 : i32
        %add3A_392 = arith.addi %mul3A_390, %add3A_391 : i32
        %mul3A_393 = arith.constant 640 : i32
        %mul3A_394 = arith.muli %add3A_392, %mul3A_393 : i32
        %add3A_395 = arith.addi %mul3A_2, %mul3A_394 : i32
        %dma_wait3A_396 = arith.constant 0 : i32
        %dma_wait3A_397 = arith.constant 0 : i32
        %dma_wait3A_398 = arith.constant 0 : i32
        %dma_wait3A_399 = tpu.memref_slice %arg6[%dma_wait3A_396, %dma_wait3A_397, %dma_wait3A_398] : memref<2x640x64xf32, #tpu.memory_space<vmem>> -> memref<1x640x64xf32, #tpu.memory_space<vmem>>
        %dma_wait3A_400 = tpu.memref_squeeze %dma_wait3A_399 : memref<1x640x64xf32, #tpu.memory_space<vmem>> -> memref<640x64xf32, #tpu.memory_space<vmem>>
        %dma_wait3A_401 = arith.constant 0 : i32
        %dma_wait3A_402 = tpu.memref_slice %arg4[%add3A_395, %dma_wait3A_401] : memref<819200x128xf32, #tpu.memory_space<hbm>> -> memref<640x64xf32, #tpu.memory_space<hbm>>
        %dma_wait3A_403 = arith.constant 0 : i32
        %dma_wait3A_404 = tpu.memref_slice %arg4[%add3A_395, %dma_wait3A_403] : memref<819200x128xf32, #tpu.memory_space<hbm>> -> memref<640x64xf32, #tpu.memory_space<hbm>>
        %dma_wait3A_405 = arith.constant 0 : i32
        %dma_wait3A_406 = arith.constant 0 : i32
        %dma_wait3A_407 = tpu.memref_slice %arg6[%dma_wait3A_396, %dma_wait3A_405, %dma_wait3A_406] : memref<2x640x64xf32, #tpu.memory_space<vmem>> -> memref<1x640x64xf32, #tpu.memory_space<vmem>>
        %dma_wait3A_408 = tpu.memref_squeeze %dma_wait3A_407 : memref<1x640x64xf32, #tpu.memory_space<vmem>> -> memref<640x64xf32, #tpu.memory_space<vmem>>
        tpu.wait_dma2 semaphore(%arg9 : memref<!tpu.dma_semaphore, #tpu.memory_space<semaphore_mem>>) src(%dma_wait3A_408 : memref<640x64xf32, #tpu.memory_space<vmem>>) dst(%dma_wait3A_404 : memref<640x64xf32, #tpu.memory_space<hbm>>)
      } else {
      }
      %mul3A_45 = arith.constant 2 : i32
      %mul3A_46 = arith.muli %mul3A_45, %add3A_42 : i32
      %add3A_47 = arith.constant 0 : i32
      %add3A_48 = arith.addi %mul3A_46, %add3A_47 : i32
      %mul3A_49 = arith.constant 5 : i32
      %mul3A_50 = arith.muli %add3A_48, %mul3A_49 : i32
      %add3A_51 = arith.constant 0 : i32
      %add3A_52 = arith.addi %mul3A_50, %add3A_51 : i32
      %dma_start3A = arith.constant 0 : i32
      %dma_start3A_53 = arith.constant 0 : i32
      %dma_start3A_54 = arith.constant 0 : i32
      %dma_start3A_55 = tpu.memref_slice %arg6[%dma_start3A, %dma_start3A_53, %dma_start3A_54] : memref<2x640x64xf32, #tpu.memory_space<vmem>> -> memref<1x128x64xf32, #tpu.memory_space<vmem>>
      %dma_start3A_56 = tpu.memref_squeeze %dma_start3A_55 : memref<1x128x64xf32, #tpu.memory_space<vmem>> -> memref<128x64xf32, #tpu.memory_space<vmem>>
      %dma_start3A_57 = arith.constant 0 : i32
      %dma_start3A_58 = tpu.memref_slice %arg5[%add3A_52, %dma_start3A_57] : memref<200x128xi32, #tpu.memory_space<vmem>> -> memref<1x128xi32, #tpu.memory_space<vmem>>
      %dma_start3A_59 = tpu.memref_squeeze %dma_start3A_58 : memref<1x128xi32, #tpu.memory_space<vmem>> -> memref<128xi32, #tpu.memory_space<vmem>>
      %dma_start3A_60 = arith.constant 0 : i32
      %dma_start3A_61 = arith.constant 0 : i32
      %dma_start3A_62 = tpu.memref_slice %arg3[%dma_start3A_60, %dma_start3A_61] : memref<2000000x64xf32, #tpu.memory_space<hbm>> -> memref<2000000x64xf32, #tpu.memory_space<hbm>>
      tpu.enqueue_indirect_dma source(%dma_start3A_62 : memref<2000000x64xf32, #tpu.memory_space<hbm>>) target(%dma_start3A_56 : memref<128x64xf32, #tpu.memory_space<vmem>>) offsets(%dma_start3A_59 : memref<128xi32, #tpu.memory_space<vmem>>) semaphore(%arg7 : memref<!tpu.dma_semaphore, #tpu.memory_space<semaphore_mem>>)
      %mul3A_63 = arith.constant 2 : i32
      %mul3A_64 = arith.muli %mul3A_63, %add3A_42 : i32
      %add3A_65 = arith.constant 0 : i32
      %add3A_66 = arith.addi %mul3A_64, %add3A_65 : i32
      %mul3A_67 = arith.constant 5 : i32
      %mul3A_68 = arith.muli %add3A_66, %mul3A_67 : i32
      %add3A_69 = arith.constant 1 : i32
      %add3A_70 = arith.addi %mul3A_68, %add3A_69 : i32
      %dma_start3A_71 = arith.constant 0 : i32
      %dma_start3A_72 = arith.constant 128 : i32
      %dma_start3A_73 = arith.constant 0 : i32
      %dma_start3A_74 = tpu.memref_slice %arg6[%dma_start3A_71, %dma_start3A_72, %dma_start3A_73] : memref<2x640x64xf32, #tpu.memory_space<vmem>> -> memref<1x128x64xf32, #tpu.memory_space<vmem>>
      %dma_start3A_75 = tpu.memref_squeeze %dma_start3A_74 : memref<1x128x64xf32, #tpu.memory_space<vmem>> -> memref<128x64xf32, #tpu.memory_space<vmem>>
      %dma_start3A_76 = arith.constant 0 : i32
      %dma_start3A_77 = tpu.memref_slice %arg5[%add3A_70, %dma_start3A_76] : memref<200x128xi32, #tpu.memory_space<vmem>> -> memref<1x128xi32, #tpu.memory_space<vmem>>
      %dma_start3A_78 = tpu.memref_squeeze %dma_start3A_77 : memref<1x128xi32, #tpu.memory_space<vmem>> -> memref<128xi32, #tpu.memory_space<vmem>>
      %dma_start3A_79 = arith.constant 0 : i32
      %dma_start3A_80 = arith.constant 0 : i32
      %dma_start3A_81 = tpu.memref_slice %arg3[%dma_start3A_79, %dma_start3A_80] : memref<2000000x64xf32, #tpu.memory_space<hbm>> -> memref<2000000x64xf32, #tpu.memory_space<hbm>>
      tpu.enqueue_indirect_dma source(%dma_start3A_81 : memref<2000000x64xf32, #tpu.memory_space<hbm>>) target(%dma_start3A_75 : memref<128x64xf32, #tpu.memory_space<vmem>>) offsets(%dma_start3A_78 : memref<128xi32, #tpu.memory_space<vmem>>) semaphore(%arg7 : memref<!tpu.dma_semaphore, #tpu.memory_space<semaphore_mem>>)
      %mul3A_82 = arith.constant 2 : i32
      %mul3A_83 = arith.muli %mul3A_82, %add3A_42 : i32
      %add3A_84 = arith.constant 0 : i32
      %add3A_85 = arith.addi %mul3A_83, %add3A_84 : i32
      %mul3A_86 = arith.constant 5 : i32
      %mul3A_87 = arith.muli %add3A_85, %mul3A_86 : i32
      %add3A_88 = arith.constant 2 : i32
      %add3A_89 = arith.addi %mul3A_87, %add3A_88 : i32
      %dma_start3A_90 = arith.constant 0 : i32
      %dma_start3A_91 = arith.constant 256 : i32
      %dma_start3A_92 = arith.constant 0 : i32
      %dma_start3A_93 = tpu.memref_slice %arg6[%dma_start3A_90, %dma_start3A_91, %dma_start3A_92] : memref<2x640x64xf32, #tpu.memory_space<vmem>> -> memref<1x128x64xf32, #tpu.memory_space<vmem>>
      %dma_start3A_94 = tpu.memref_squeeze %dma_start3A_93 : memref<1x128x64xf32, #tpu.memory_space<vmem>> -> memref<128x64xf32, #tpu.memory_space<vmem>>
      %dma_start3A_95 = arith.constant 0 : i32
      %dma_start3A_96 = tpu.memref_slice %arg5[%add3A_89, %dma_start3A_95] : memref<200x128xi32, #tpu.memory_space<vmem>> -> memref<1x128xi32, #tpu.memory_space<vmem>>
      %dma_start3A_97 = tpu.memref_squeeze %dma_start3A_96 : memref<1x128xi32, #tpu.memory_space<vmem>> -> memref<128xi32, #tpu.memory_space<vmem>>
      %dma_start3A_98 = arith.constant 0 : i32
      %dma_start3A_99 = arith.constant 0 : i32
      %dma_start3A_100 = tpu.memref_slice %arg3[%dma_start3A_98, %dma_start3A_99] : memref<2000000x64xf32, #tpu.memory_space<hbm>> -> memref<2000000x64xf32, #tpu.memory_space<hbm>>
      tpu.enqueue_indirect_dma source(%dma_start3A_100 : memref<2000000x64xf32, #tpu.memory_space<hbm>>) target(%dma_start3A_94 : memref<128x64xf32, #tpu.memory_space<vmem>>) offsets(%dma_start3A_97 : memref<128xi32, #tpu.memory_space<vmem>>) semaphore(%arg7 : memref<!tpu.dma_semaphore, #tpu.memory_space<semaphore_mem>>)
      %mul3A_101 = arith.constant 2 : i32
      %mul3A_102 = arith.muli %mul3A_101, %add3A_42 : i32
      %add3A_103 = arith.constant 0 : i32
      %add3A_104 = arith.addi %mul3A_102, %add3A_103 : i32
      %mul3A_105 = arith.constant 5 : i32
      %mul3A_106 = arith.muli %add3A_104, %mul3A_105 : i32
      %add3A_107 = arith.constant 3 : i32
      %add3A_108 = arith.addi %mul3A_106, %add3A_107 : i32
      %dma_start3A_109 = arith.constant 0 : i32
      %dma_start3A_110 = arith.constant 384 : i32
      %dma_start3A_111 = arith.constant 0 : i32
      %dma_start3A_112 = tpu.memref_slice %arg6[%dma_start3A_109, %dma_start3A_110, %dma_start3A_111] : memref<2x640x64xf32, #tpu.memory_space<vmem>> -> memref<1x128x64xf32, #tpu.memory_space<vmem>>
      %dma_start3A_113 = tpu.memref_squeeze %dma_start3A_112 : memref<1x128x64xf32, #tpu.memory_space<vmem>> -> memref<128x64xf32, #tpu.memory_space<vmem>>
      %dma_start3A_114 = arith.constant 0 : i32
      %dma_start3A_115 = tpu.memref_slice %arg5[%add3A_108, %dma_start3A_114] : memref<200x128xi32, #tpu.memory_space<vmem>> -> memref<1x128xi32, #tpu.memory_space<vmem>>
      %dma_start3A_116 = tpu.memref_squeeze %dma_start3A_115 : memref<1x128xi32, #tpu.memory_space<vmem>> -> memref<128xi32, #tpu.memory_space<vmem>>
      %dma_start3A_117 = arith.constant 0 : i32
      %dma_start3A_118 = arith.constant 0 : i32
      %dma_start3A_119 = tpu.memref_slice %arg3[%dma_start3A_117, %dma_start3A_118] : memref<2000000x64xf32, #tpu.memory_space<hbm>> -> memref<2000000x64xf32, #tpu.memory_space<hbm>>
      tpu.enqueue_indirect_dma source(%dma_start3A_119 : memref<2000000x64xf32, #tpu.memory_space<hbm>>) target(%dma_start3A_113 : memref<128x64xf32, #tpu.memory_space<vmem>>) offsets(%dma_start3A_116 : memref<128xi32, #tpu.memory_space<vmem>>) semaphore(%arg7 : memref<!tpu.dma_semaphore, #tpu.memory_space<semaphore_mem>>)
      %mul3A_120 = arith.constant 2 : i32
      %mul3A_121 = arith.muli %mul3A_120, %add3A_42 : i32
      %add3A_122 = arith.constant 0 : i32
      %add3A_123 = arith.addi %mul3A_121, %add3A_122 : i32
      %mul3A_124 = arith.constant 5 : i32
      %mul3A_125 = arith.muli %add3A_123, %mul3A_124 : i32
      %add3A_126 = arith.constant 4 : i32
      %add3A_127 = arith.addi %mul3A_125, %add3A_126 : i32
      %dma_start3A_128 = arith.constant 0 : i32
      %dma_start3A_129 = arith.constant 512 : i32
      %dma_start3A_130 = arith.constant 0 : i32
      %dma_start3A_131 = tpu.memref_slice %arg6[%dma_start3A_128, %dma_start3A_129, %dma_start3A_130] : memref<2x640x64xf32, #tpu.memory_space<vmem>> -> memref<1x128x64xf32, #tpu.memory_space<vmem>>
      %dma_start3A_132 = tpu.memref_squeeze %dma_start3A_131 : memref<1x128x64xf32, #tpu.memory_space<vmem>> -> memref<128x64xf32, #tpu.memory_space<vmem>>
      %dma_start3A_133 = arith.constant 0 : i32
      %dma_start3A_134 = tpu.memref_slice %arg5[%add3A_127, %dma_start3A_133] : memref<200x128xi32, #tpu.memory_space<vmem>> -> memref<1x128xi32, #tpu.memory_space<vmem>>
      %dma_start3A_135 = tpu.memref_squeeze %dma_start3A_134 : memref<1x128xi32, #tpu.memory_space<vmem>> -> memref<128xi32, #tpu.memory_space<vmem>>
      %dma_start3A_136 = arith.constant 0 : i32
      %dma_start3A_137 = arith.constant 0 : i32
      %dma_start3A_138 = tpu.memref_slice %arg3[%dma_start3A_136, %dma_start3A_137] : memref<2000000x64xf32, #tpu.memory_space<hbm>> -> memref<2000000x64xf32, #tpu.memory_space<hbm>>
      tpu.enqueue_indirect_dma source(%dma_start3A_138 : memref<2000000x64xf32, #tpu.memory_space<hbm>>) target(%dma_start3A_132 : memref<128x64xf32, #tpu.memory_space<vmem>>) offsets(%dma_start3A_135 : memref<128xi32, #tpu.memory_space<vmem>>) semaphore(%arg7 : memref<!tpu.dma_semaphore, #tpu.memory_space<semaphore_mem>>)
      %gt3A_139 = arith.constant 0 : i32
      %gt3A_140 = arith.cmpi sgt, %add3A_42, %gt3A_139 : i32
      %convert_element_type3A_141 = arith.extui %gt3A_140 : i1 to i32
      %cond3A_142 = arith.constant 0 : i32
      %cond3A_143 = arith.cmpi ne, %convert_element_type3A_141, %cond3A_142 : i32
      scf.if %cond3A_143 {
        %mul3A_389 = arith.constant 2 : i32
        %mul3A_390 = arith.muli %mul3A_389, %add3A_42 : i32
        %add3A_391 = arith.constant 1 : i32
        %add3A_392 = arith.addi %mul3A_390, %add3A_391 : i32
        %mul3A_393 = arith.constant 640 : i32
        %mul3A_394 = arith.muli %add3A_392, %mul3A_393 : i32
        %add3A_395 = arith.addi %mul3A_2, %mul3A_394 : i32
        %dma_wait3A_396 = arith.constant 1 : i32
        %dma_wait3A_397 = arith.constant 0 : i32
        %dma_wait3A_398 = arith.constant 0 : i32
        %dma_wait3A_399 = tpu.memref_slice %arg6[%dma_wait3A_396, %dma_wait3A_397, %dma_wait3A_398] : memref<2x640x64xf32, #tpu.memory_space<vmem>> -> memref<1x640x64xf32, #tpu.memory_space<vmem>>
        %dma_wait3A_400 = tpu.memref_squeeze %dma_wait3A_399 : memref<1x640x64xf32, #tpu.memory_space<vmem>> -> memref<640x64xf32, #tpu.memory_space<vmem>>
        %dma_wait3A_401 = arith.constant 0 : i32
        %dma_wait3A_402 = tpu.memref_slice %arg4[%add3A_395, %dma_wait3A_401] : memref<819200x128xf32, #tpu.memory_space<hbm>> -> memref<640x64xf32, #tpu.memory_space<hbm>>
        %dma_wait3A_403 = arith.constant 0 : i32
        %dma_wait3A_404 = tpu.memref_slice %arg4[%add3A_395, %dma_wait3A_403] : memref<819200x128xf32, #tpu.memory_space<hbm>> -> memref<640x64xf32, #tpu.memory_space<hbm>>
        %dma_wait3A_405 = arith.constant 0 : i32
        %dma_wait3A_406 = arith.constant 0 : i32
        %dma_wait3A_407 = tpu.memref_slice %arg6[%dma_wait3A_396, %dma_wait3A_405, %dma_wait3A_406] : memref<2x640x64xf32, #tpu.memory_space<vmem>> -> memref<1x640x64xf32, #tpu.memory_space<vmem>>
        %dma_wait3A_408 = tpu.memref_squeeze %dma_wait3A_407 : memref<1x640x64xf32, #tpu.memory_space<vmem>> -> memref<640x64xf32, #tpu.memory_space<vmem>>
        tpu.wait_dma2 semaphore(%arg10 : memref<!tpu.dma_semaphore, #tpu.memory_space<semaphore_mem>>) src(%dma_wait3A_408 : memref<640x64xf32, #tpu.memory_space<vmem>>) dst(%dma_wait3A_404 : memref<640x64xf32, #tpu.memory_space<hbm>>)
      } else {
      }
      %mul3A_144 = arith.constant 2 : i32
      %mul3A_145 = arith.muli %mul3A_144, %add3A_42 : i32
      %add3A_146 = arith.constant 1 : i32
      %add3A_147 = arith.addi %mul3A_145, %add3A_146 : i32
      %mul3A_148 = arith.constant 5 : i32
      %mul3A_149 = arith.muli %add3A_147, %mul3A_148 : i32
      %add3A_150 = arith.constant 0 : i32
      %add3A_151 = arith.addi %mul3A_149, %add3A_150 : i32
      %dma_start3A_152 = arith.constant 1 : i32
      %dma_start3A_153 = arith.constant 0 : i32
      %dma_start3A_154 = arith.constant 0 : i32
      %dma_start3A_155 = tpu.memref_slice %arg6[%dma_start3A_152, %dma_start3A_153, %dma_start3A_154] : memref<2x640x64xf32, #tpu.memory_space<vmem>> -> memref<1x128x64xf32, #tpu.memory_space<vmem>>
      %dma_start3A_156 = tpu.memref_squeeze %dma_start3A_155 : memref<1x128x64xf32, #tpu.memory_space<vmem>> -> memref<128x64xf32, #tpu.memory_space<vmem>>
      %dma_start3A_157 = arith.constant 0 : i32
      %dma_start3A_158 = tpu.memref_slice %arg5[%add3A_151, %dma_start3A_157] : memref<200x128xi32, #tpu.memory_space<vmem>> -> memref<1x128xi32, #tpu.memory_space<vmem>>
      %dma_start3A_159 = tpu.memref_squeeze %dma_start3A_158 : memref<1x128xi32, #tpu.memory_space<vmem>> -> memref<128xi32, #tpu.memory_space<vmem>>
      %dma_start3A_160 = arith.constant 0 : i32
      %dma_start3A_161 = arith.constant 0 : i32
      %dma_start3A_162 = tpu.memref_slice %arg3[%dma_start3A_160, %dma_start3A_161] : memref<2000000x64xf32, #tpu.memory_space<hbm>> -> memref<2000000x64xf32, #tpu.memory_space<hbm>>
      tpu.enqueue_indirect_dma source(%dma_start3A_162 : memref<2000000x64xf32, #tpu.memory_space<hbm>>) target(%dma_start3A_156 : memref<128x64xf32, #tpu.memory_space<vmem>>) offsets(%dma_start3A_159 : memref<128xi32, #tpu.memory_space<vmem>>) semaphore(%arg8 : memref<!tpu.dma_semaphore, #tpu.memory_space<semaphore_mem>>)
      %mul3A_163 = arith.constant 2 : i32
      %mul3A_164 = arith.muli %mul3A_163, %add3A_42 : i32
      %add3A_165 = arith.constant 1 : i32
      %add3A_166 = arith.addi %mul3A_164, %add3A_165 : i32
      %mul3A_167 = arith.constant 5 : i32
      %mul3A_168 = arith.muli %add3A_166, %mul3A_167 : i32
      %add3A_169 = arith.constant 1 : i32
      %add3A_170 = arith.addi %mul3A_168, %add3A_169 : i32
      %dma_start3A_171 = arith.constant 1 : i32
      %dma_start3A_172 = arith.constant 128 : i32
      %dma_start3A_173 = arith.constant 0 : i32
      %dma_start3A_174 = tpu.memref_slice %arg6[%dma_start3A_171, %dma_start3A_172, %dma_start3A_173] : memref<2x640x64xf32, #tpu.memory_space<vmem>> -> memref<1x128x64xf32, #tpu.memory_space<vmem>>
      %dma_start3A_175 = tpu.memref_squeeze %dma_start3A_174 : memref<1x128x64xf32, #tpu.memory_space<vmem>> -> memref<128x64xf32, #tpu.memory_space<vmem>>
      %dma_start3A_176 = arith.constant 0 : i32
      %dma_start3A_177 = tpu.memref_slice %arg5[%add3A_170, %dma_start3A_176] : memref<200x128xi32, #tpu.memory_space<vmem>> -> memref<1x128xi32, #tpu.memory_space<vmem>>
      %dma_start3A_178 = tpu.memref_squeeze %dma_start3A_177 : memref<1x128xi32, #tpu.memory_space<vmem>> -> memref<128xi32, #tpu.memory_space<vmem>>
      %dma_start3A_179 = arith.constant 0 : i32
      %dma_start3A_180 = arith.constant 0 : i32
      %dma_start3A_181 = tpu.memref_slice %arg3[%dma_start3A_179, %dma_start3A_180] : memref<2000000x64xf32, #tpu.memory_space<hbm>> -> memref<2000000x64xf32, #tpu.memory_space<hbm>>
      tpu.enqueue_indirect_dma source(%dma_start3A_181 : memref<2000000x64xf32, #tpu.memory_space<hbm>>) target(%dma_start3A_175 : memref<128x64xf32, #tpu.memory_space<vmem>>) offsets(%dma_start3A_178 : memref<128xi32, #tpu.memory_space<vmem>>) semaphore(%arg8 : memref<!tpu.dma_semaphore, #tpu.memory_space<semaphore_mem>>)
      %mul3A_182 = arith.constant 2 : i32
      %mul3A_183 = arith.muli %mul3A_182, %add3A_42 : i32
      %add3A_184 = arith.constant 1 : i32
      %add3A_185 = arith.addi %mul3A_183, %add3A_184 : i32
      %mul3A_186 = arith.constant 5 : i32
      %mul3A_187 = arith.muli %add3A_185, %mul3A_186 : i32
      %add3A_188 = arith.constant 2 : i32
      %add3A_189 = arith.addi %mul3A_187, %add3A_188 : i32
      %dma_start3A_190 = arith.constant 1 : i32
      %dma_start3A_191 = arith.constant 256 : i32
      %dma_start3A_192 = arith.constant 0 : i32
      %dma_start3A_193 = tpu.memref_slice %arg6[%dma_start3A_190, %dma_start3A_191, %dma_start3A_192] : memref<2x640x64xf32, #tpu.memory_space<vmem>> -> memref<1x128x64xf32, #tpu.memory_space<vmem>>
      %dma_start3A_194 = tpu.memref_squeeze %dma_start3A_193 : memref<1x128x64xf32, #tpu.memory_space<vmem>> -> memref<128x64xf32, #tpu.memory_space<vmem>>
      %dma_start3A_195 = arith.constant 0 : i32
      %dma_start3A_196 = tpu.memref_slice %arg5[%add3A_189, %dma_start3A_195] : memref<200x128xi32, #tpu.memory_space<vmem>> -> memref<1x128xi32, #tpu.memory_space<vmem>>
      %dma_start3A_197 = tpu.memref_squeeze %dma_start3A_196 : memref<1x128xi32, #tpu.memory_space<vmem>> -> memref<128xi32, #tpu.memory_space<vmem>>
      %dma_start3A_198 = arith.constant 0 : i32
      %dma_start3A_199 = arith.constant 0 : i32
      %dma_start3A_200 = tpu.memref_slice %arg3[%dma_start3A_198, %dma_start3A_199] : memref<2000000x64xf32, #tpu.memory_space<hbm>> -> memref<2000000x64xf32, #tpu.memory_space<hbm>>
      tpu.enqueue_indirect_dma source(%dma_start3A_200 : memref<2000000x64xf32, #tpu.memory_space<hbm>>) target(%dma_start3A_194 : memref<128x64xf32, #tpu.memory_space<vmem>>) offsets(%dma_start3A_197 : memref<128xi32, #tpu.memory_space<vmem>>) semaphore(%arg8 : memref<!tpu.dma_semaphore, #tpu.memory_space<semaphore_mem>>)
      %mul3A_201 = arith.constant 2 : i32
      %mul3A_202 = arith.muli %mul3A_201, %add3A_42 : i32
      %add3A_203 = arith.constant 1 : i32
      %add3A_204 = arith.addi %mul3A_202, %add3A_203 : i32
      %mul3A_205 = arith.constant 5 : i32
      %mul3A_206 = arith.muli %add3A_204, %mul3A_205 : i32
      %add3A_207 = arith.constant 3 : i32
      %add3A_208 = arith.addi %mul3A_206, %add3A_207 : i32
      %dma_start3A_209 = arith.constant 1 : i32
      %dma_start3A_210 = arith.constant 384 : i32
      %dma_start3A_211 = arith.constant 0 : i32
      %dma_start3A_212 = tpu.memref_slice %arg6[%dma_start3A_209, %dma_start3A_210, %dma_start3A_211] : memref<2x640x64xf32, #tpu.memory_space<vmem>> -> memref<1x128x64xf32, #tpu.memory_space<vmem>>
      %dma_start3A_213 = tpu.memref_squeeze %dma_start3A_212 : memref<1x128x64xf32, #tpu.memory_space<vmem>> -> memref<128x64xf32, #tpu.memory_space<vmem>>
      %dma_start3A_214 = arith.constant 0 : i32
      %dma_start3A_215 = tpu.memref_slice %arg5[%add3A_208, %dma_start3A_214] : memref<200x128xi32, #tpu.memory_space<vmem>> -> memref<1x128xi32, #tpu.memory_space<vmem>>
      %dma_start3A_216 = tpu.memref_squeeze %dma_start3A_215 : memref<1x128xi32, #tpu.memory_space<vmem>> -> memref<128xi32, #tpu.memory_space<vmem>>
      %dma_start3A_217 = arith.constant 0 : i32
      %dma_start3A_218 = arith.constant 0 : i32
      %dma_start3A_219 = tpu.memref_slice %arg3[%dma_start3A_217, %dma_start3A_218] : memref<2000000x64xf32, #tpu.memory_space<hbm>> -> memref<2000000x64xf32, #tpu.memory_space<hbm>>
      tpu.enqueue_indirect_dma source(%dma_start3A_219 : memref<2000000x64xf32, #tpu.memory_space<hbm>>) target(%dma_start3A_213 : memref<128x64xf32, #tpu.memory_space<vmem>>) offsets(%dma_start3A_216 : memref<128xi32, #tpu.memory_space<vmem>>) semaphore(%arg8 : memref<!tpu.dma_semaphore, #tpu.memory_space<semaphore_mem>>)
      %mul3A_220 = arith.constant 2 : i32
      %mul3A_221 = arith.muli %mul3A_220, %add3A_42 : i32
      %add3A_222 = arith.constant 1 : i32
      %add3A_223 = arith.addi %mul3A_221, %add3A_222 : i32
      %mul3A_224 = arith.constant 5 : i32
      %mul3A_225 = arith.muli %add3A_223, %mul3A_224 : i32
      %add3A_226 = arith.constant 4 : i32
      %add3A_227 = arith.addi %mul3A_225, %add3A_226 : i32
      %dma_start3A_228 = arith.constant 1 : i32
      %dma_start3A_229 = arith.constant 512 : i32
      %dma_start3A_230 = arith.constant 0 : i32
      %dma_start3A_231 = tpu.memref_slice %arg6[%dma_start3A_228, %dma_start3A_229, %dma_start3A_230] : memref<2x640x64xf32, #tpu.memory_space<vmem>> -> memref<1x128x64xf32, #tpu.memory_space<vmem>>
      %dma_start3A_232 = tpu.memref_squeeze %dma_start3A_231 : memref<1x128x64xf32, #tpu.memory_space<vmem>> -> memref<128x64xf32, #tpu.memory_space<vmem>>
      %dma_start3A_233 = arith.constant 0 : i32
      %dma_start3A_234 = tpu.memref_slice %arg5[%add3A_227, %dma_start3A_233] : memref<200x128xi32, #tpu.memory_space<vmem>> -> memref<1x128xi32, #tpu.memory_space<vmem>>
      %dma_start3A_235 = tpu.memref_squeeze %dma_start3A_234 : memref<1x128xi32, #tpu.memory_space<vmem>> -> memref<128xi32, #tpu.memory_space<vmem>>
      %dma_start3A_236 = arith.constant 0 : i32
      %dma_start3A_237 = arith.constant 0 : i32
      %dma_start3A_238 = tpu.memref_slice %arg3[%dma_start3A_236, %dma_start3A_237] : memref<2000000x64xf32, #tpu.memory_space<hbm>> -> memref<2000000x64xf32, #tpu.memory_space<hbm>>
      tpu.enqueue_indirect_dma source(%dma_start3A_238 : memref<2000000x64xf32, #tpu.memory_space<hbm>>) target(%dma_start3A_232 : memref<128x64xf32, #tpu.memory_space<vmem>>) offsets(%dma_start3A_235 : memref<128xi32, #tpu.memory_space<vmem>>) semaphore(%arg8 : memref<!tpu.dma_semaphore, #tpu.memory_space<semaphore_mem>>)
      %dma_wait3A_239 = arith.constant 0 : i32
      %dma_wait3A_240 = arith.constant 0 : i32
      %dma_wait3A_241 = arith.constant 0 : i32
      %dma_wait3A_242 = tpu.memref_slice %arg6[%dma_wait3A_239, %dma_wait3A_240, %dma_wait3A_241] : memref<2x640x64xf32, #tpu.memory_space<vmem>> -> memref<1x128x64xf32, #tpu.memory_space<vmem>>
      %dma_wait3A_243 = tpu.memref_squeeze %dma_wait3A_242 : memref<1x128x64xf32, #tpu.memory_space<vmem>> -> memref<128x64xf32, #tpu.memory_space<vmem>>
      %dma_wait3A_244 = arith.constant 0 : i32
      %dma_wait3A_245 = tpu.memref_slice %arg5[%add3A_52, %dma_wait3A_244] : memref<200x128xi32, #tpu.memory_space<vmem>> -> memref<1x128xi32, #tpu.memory_space<vmem>>
      %dma_wait3A_246 = tpu.memref_squeeze %dma_wait3A_245 : memref<1x128xi32, #tpu.memory_space<vmem>> -> memref<128xi32, #tpu.memory_space<vmem>>
      %dma_wait3A_247 = arith.constant 0 : i32
      %dma_wait3A_248 = arith.constant 0 : i32
      %dma_wait3A_249 = tpu.memref_slice %arg3[%dma_wait3A_247, %dma_wait3A_248] : memref<2000000x64xf32, #tpu.memory_space<hbm>> -> memref<2000000x64xf32, #tpu.memory_space<hbm>>
      tpu.wait_indirect_dma semaphore(%arg7 : memref<!tpu.dma_semaphore, #tpu.memory_space<semaphore_mem>>) src(%dma_wait3A_249 : memref<2000000x64xf32, #tpu.memory_space<hbm>>) dst(%dma_wait3A_243 : memref<128x64xf32, #tpu.memory_space<vmem>>)
      %dma_wait3A_250 = arith.constant 0 : i32
      %dma_wait3A_251 = arith.constant 128 : i32
      %dma_wait3A_252 = arith.constant 0 : i32
      %dma_wait3A_253 = tpu.memref_slice %arg6[%dma_wait3A_250, %dma_wait3A_251, %dma_wait3A_252] : memref<2x640x64xf32, #tpu.memory_space<vmem>> -> memref<1x128x64xf32, #tpu.memory_space<vmem>>
      %dma_wait3A_254 = tpu.memref_squeeze %dma_wait3A_253 : memref<1x128x64xf32, #tpu.memory_space<vmem>> -> memref<128x64xf32, #tpu.memory_space<vmem>>
      %dma_wait3A_255 = arith.constant 0 : i32
      %dma_wait3A_256 = tpu.memref_slice %arg5[%add3A_70, %dma_wait3A_255] : memref<200x128xi32, #tpu.memory_space<vmem>> -> memref<1x128xi32, #tpu.memory_space<vmem>>
      %dma_wait3A_257 = tpu.memref_squeeze %dma_wait3A_256 : memref<1x128xi32, #tpu.memory_space<vmem>> -> memref<128xi32, #tpu.memory_space<vmem>>
      %dma_wait3A_258 = arith.constant 0 : i32
      %dma_wait3A_259 = arith.constant 0 : i32
      %dma_wait3A_260 = tpu.memref_slice %arg3[%dma_wait3A_258, %dma_wait3A_259] : memref<2000000x64xf32, #tpu.memory_space<hbm>> -> memref<2000000x64xf32, #tpu.memory_space<hbm>>
      tpu.wait_indirect_dma semaphore(%arg7 : memref<!tpu.dma_semaphore, #tpu.memory_space<semaphore_mem>>) src(%dma_wait3A_260 : memref<2000000x64xf32, #tpu.memory_space<hbm>>) dst(%dma_wait3A_254 : memref<128x64xf32, #tpu.memory_space<vmem>>)
      %dma_wait3A_261 = arith.constant 0 : i32
      %dma_wait3A_262 = arith.constant 256 : i32
      %dma_wait3A_263 = arith.constant 0 : i32
      %dma_wait3A_264 = tpu.memref_slice %arg6[%dma_wait3A_261, %dma_wait3A_262, %dma_wait3A_263] : memref<2x640x64xf32, #tpu.memory_space<vmem>> -> memref<1x128x64xf32, #tpu.memory_space<vmem>>
      %dma_wait3A_265 = tpu.memref_squeeze %dma_wait3A_264 : memref<1x128x64xf32, #tpu.memory_space<vmem>> -> memref<128x64xf32, #tpu.memory_space<vmem>>
      %dma_wait3A_266 = arith.constant 0 : i32
      %dma_wait3A_267 = tpu.memref_slice %arg5[%add3A_89, %dma_wait3A_266] : memref<200x128xi32, #tpu.memory_space<vmem>> -> memref<1x128xi32, #tpu.memory_space<vmem>>
      %dma_wait3A_268 = tpu.memref_squeeze %dma_wait3A_267 : memref<1x128xi32, #tpu.memory_space<vmem>> -> memref<128xi32, #tpu.memory_space<vmem>>
      %dma_wait3A_269 = arith.constant 0 : i32
      %dma_wait3A_270 = arith.constant 0 : i32
      %dma_wait3A_271 = tpu.memref_slice %arg3[%dma_wait3A_269, %dma_wait3A_270] : memref<2000000x64xf32, #tpu.memory_space<hbm>> -> memref<2000000x64xf32, #tpu.memory_space<hbm>>
      tpu.wait_indirect_dma semaphore(%arg7 : memref<!tpu.dma_semaphore, #tpu.memory_space<semaphore_mem>>) src(%dma_wait3A_271 : memref<2000000x64xf32, #tpu.memory_space<hbm>>) dst(%dma_wait3A_265 : memref<128x64xf32, #tpu.memory_space<vmem>>)
      %dma_wait3A_272 = arith.constant 0 : i32
      %dma_wait3A_273 = arith.constant 384 : i32
      %dma_wait3A_274 = arith.constant 0 : i32
      %dma_wait3A_275 = tpu.memref_slice %arg6[%dma_wait3A_272, %dma_wait3A_273, %dma_wait3A_274] : memref<2x640x64xf32, #tpu.memory_space<vmem>> -> memref<1x128x64xf32, #tpu.memory_space<vmem>>
      %dma_wait3A_276 = tpu.memref_squeeze %dma_wait3A_275 : memref<1x128x64xf32, #tpu.memory_space<vmem>> -> memref<128x64xf32, #tpu.memory_space<vmem>>
      %dma_wait3A_277 = arith.constant 0 : i32
      %dma_wait3A_278 = tpu.memref_slice %arg5[%add3A_108, %dma_wait3A_277] : memref<200x128xi32, #tpu.memory_space<vmem>> -> memref<1x128xi32, #tpu.memory_space<vmem>>
      %dma_wait3A_279 = tpu.memref_squeeze %dma_wait3A_278 : memref<1x128xi32, #tpu.memory_space<vmem>> -> memref<128xi32, #tpu.memory_space<vmem>>
      %dma_wait3A_280 = arith.constant 0 : i32
      %dma_wait3A_281 = arith.constant 0 : i32
      %dma_wait3A_282 = tpu.memref_slice %arg3[%dma_wait3A_280, %dma_wait3A_281] : memref<2000000x64xf32, #tpu.memory_space<hbm>> -> memref<2000000x64xf32, #tpu.memory_space<hbm>>
      tpu.wait_indirect_dma semaphore(%arg7 : memref<!tpu.dma_semaphore, #tpu.memory_space<semaphore_mem>>) src(%dma_wait3A_282 : memref<2000000x64xf32, #tpu.memory_space<hbm>>) dst(%dma_wait3A_276 : memref<128x64xf32, #tpu.memory_space<vmem>>)
      %dma_wait3A_283 = arith.constant 0 : i32
      %dma_wait3A_284 = arith.constant 512 : i32
      %dma_wait3A_285 = arith.constant 0 : i32
      %dma_wait3A_286 = tpu.memref_slice %arg6[%dma_wait3A_283, %dma_wait3A_284, %dma_wait3A_285] : memref<2x640x64xf32, #tpu.memory_space<vmem>> -> memref<1x128x64xf32, #tpu.memory_space<vmem>>
      %dma_wait3A_287 = tpu.memref_squeeze %dma_wait3A_286 : memref<1x128x64xf32, #tpu.memory_space<vmem>> -> memref<128x64xf32, #tpu.memory_space<vmem>>
      %dma_wait3A_288 = arith.constant 0 : i32
      %dma_wait3A_289 = tpu.memref_slice %arg5[%add3A_127, %dma_wait3A_288] : memref<200x128xi32, #tpu.memory_space<vmem>> -> memref<1x128xi32, #tpu.memory_space<vmem>>
      %dma_wait3A_290 = tpu.memref_squeeze %dma_wait3A_289 : memref<1x128xi32, #tpu.memory_space<vmem>> -> memref<128xi32, #tpu.memory_space<vmem>>
      %dma_wait3A_291 = arith.constant 0 : i32
      %dma_wait3A_292 = arith.constant 0 : i32
      %dma_wait3A_293 = tpu.memref_slice %arg3[%dma_wait3A_291, %dma_wait3A_292] : memref<2000000x64xf32, #tpu.memory_space<hbm>> -> memref<2000000x64xf32, #tpu.memory_space<hbm>>
      tpu.wait_indirect_dma semaphore(%arg7 : memref<!tpu.dma_semaphore, #tpu.memory_space<semaphore_mem>>) src(%dma_wait3A_293 : memref<2000000x64xf32, #tpu.memory_space<hbm>>) dst(%dma_wait3A_287 : memref<128x64xf32, #tpu.memory_space<vmem>>)
      %mul3A_294 = arith.constant 2 : i32
      %mul3A_295 = arith.muli %mul3A_294, %add3A_42 : i32
      %add3A_296 = arith.constant 0 : i32
      %add3A_297 = arith.addi %mul3A_295, %add3A_296 : i32
      %mul3A_298 = arith.constant 640 : i32
      %mul3A_299 = arith.muli %add3A_297, %mul3A_298 : i32
      %add3A_300 = arith.addi %mul3A_2, %mul3A_299 : i32
      %dma_start3A_301 = arith.constant 0 : i32
      %dma_start3A_302 = arith.constant 0 : i32
      %dma_start3A_303 = arith.constant 0 : i32
      %dma_start3A_304 = tpu.memref_slice %arg6[%dma_start3A_301, %dma_start3A_302, %dma_start3A_303] : memref<2x640x64xf32, #tpu.memory_space<vmem>> -> memref<1x640x64xf32, #tpu.memory_space<vmem>>
      %dma_start3A_305 = tpu.memref_squeeze %dma_start3A_304 : memref<1x640x64xf32, #tpu.memory_space<vmem>> -> memref<640x64xf32, #tpu.memory_space<vmem>>
      %dma_start3A_306 = arith.constant 0 : i32
      %dma_start3A_307 = tpu.memref_slice %arg4[%add3A_300, %dma_start3A_306] : memref<819200x128xf32, #tpu.memory_space<hbm>> -> memref<640x64xf32, #tpu.memory_space<hbm>>
      %dma_start3A_308 = arith.constant 0 : i32
      %dma_start3A_309 = tpu.memref_slice %arg4[%add3A_300, %dma_start3A_308] : memref<819200x128xf32, #tpu.memory_space<hbm>> -> memref<640x64xf32, #tpu.memory_space<hbm>>
      %dma_start3A_310 = arith.constant 0 : i32
      %dma_start3A_311 = arith.constant 0 : i32
      %dma_start3A_312 = tpu.memref_slice %arg6[%dma_start3A_301, %dma_start3A_310, %dma_start3A_311] : memref<2x640x64xf32, #tpu.memory_space<vmem>> -> memref<1x640x64xf32, #tpu.memory_space<vmem>>
      %dma_start3A_313 = tpu.memref_squeeze %dma_start3A_312 : memref<1x640x64xf32, #tpu.memory_space<vmem>> -> memref<640x64xf32, #tpu.memory_space<vmem>>
      tpu.enqueue_dma source(%dma_start3A_313 : memref<640x64xf32, #tpu.memory_space<vmem>>) target(%dma_start3A_309 : memref<640x64xf32, #tpu.memory_space<hbm>>) target_semaphore(%arg9 : memref<!tpu.dma_semaphore, #tpu.memory_space<semaphore_mem>>)
      %dma_wait3A_314 = arith.constant 1 : i32
      %dma_wait3A_315 = arith.constant 0 : i32
      %dma_wait3A_316 = arith.constant 0 : i32
      %dma_wait3A_317 = tpu.memref_slice %arg6[%dma_wait3A_314, %dma_wait3A_315, %dma_wait3A_316] : memref<2x640x64xf32, #tpu.memory_space<vmem>> -> memref<1x128x64xf32, #tpu.memory_space<vmem>>
      %dma_wait3A_318 = tpu.memref_squeeze %dma_wait3A_317 : memref<1x128x64xf32, #tpu.memory_space<vmem>> -> memref<128x64xf32, #tpu.memory_space<vmem>>
      %dma_wait3A_319 = arith.constant 0 : i32
      %dma_wait3A_320 = tpu.memref_slice %arg5[%add3A_151, %dma_wait3A_319] : memref<200x128xi32, #tpu.memory_space<vmem>> -> memref<1x128xi32, #tpu.memory_space<vmem>>
      %dma_wait3A_321 = tpu.memref_squeeze %dma_wait3A_320 : memref<1x128xi32, #tpu.memory_space<vmem>> -> memref<128xi32, #tpu.memory_space<vmem>>
      %dma_wait3A_322 = arith.constant 0 : i32
      %dma_wait3A_323 = arith.constant 0 : i32
      %dma_wait3A_324 = tpu.memref_slice %arg3[%dma_wait3A_322, %dma_wait3A_323] : memref<2000000x64xf32, #tpu.memory_space<hbm>> -> memref<2000000x64xf32, #tpu.memory_space<hbm>>
      tpu.wait_indirect_dma semaphore(%arg8 : memref<!tpu.dma_semaphore, #tpu.memory_space<semaphore_mem>>) src(%dma_wait3A_324 : memref<2000000x64xf32, #tpu.memory_space<hbm>>) dst(%dma_wait3A_318 : memref<128x64xf32, #tpu.memory_space<vmem>>)
      %dma_wait3A_325 = arith.constant 1 : i32
      %dma_wait3A_326 = arith.constant 128 : i32
      %dma_wait3A_327 = arith.constant 0 : i32
      %dma_wait3A_328 = tpu.memref_slice %arg6[%dma_wait3A_325, %dma_wait3A_326, %dma_wait3A_327] : memref<2x640x64xf32, #tpu.memory_space<vmem>> -> memref<1x128x64xf32, #tpu.memory_space<vmem>>
      %dma_wait3A_329 = tpu.memref_squeeze %dma_wait3A_328 : memref<1x128x64xf32, #tpu.memory_space<vmem>> -> memref<128x64xf32, #tpu.memory_space<vmem>>
      %dma_wait3A_330 = arith.constant 0 : i32
      %dma_wait3A_331 = tpu.memref_slice %arg5[%add3A_170, %dma_wait3A_330] : memref<200x128xi32, #tpu.memory_space<vmem>> -> memref<1x128xi32, #tpu.memory_space<vmem>>
      %dma_wait3A_332 = tpu.memref_squeeze %dma_wait3A_331 : memref<1x128xi32, #tpu.memory_space<vmem>> -> memref<128xi32, #tpu.memory_space<vmem>>
      %dma_wait3A_333 = arith.constant 0 : i32
      %dma_wait3A_334 = arith.constant 0 : i32
      %dma_wait3A_335 = tpu.memref_slice %arg3[%dma_wait3A_333, %dma_wait3A_334] : memref<2000000x64xf32, #tpu.memory_space<hbm>> -> memref<2000000x64xf32, #tpu.memory_space<hbm>>
      tpu.wait_indirect_dma semaphore(%arg8 : memref<!tpu.dma_semaphore, #tpu.memory_space<semaphore_mem>>) src(%dma_wait3A_335 : memref<2000000x64xf32, #tpu.memory_space<hbm>>) dst(%dma_wait3A_329 : memref<128x64xf32, #tpu.memory_space<vmem>>)
      %dma_wait3A_336 = arith.constant 1 : i32
      %dma_wait3A_337 = arith.constant 256 : i32
      %dma_wait3A_338 = arith.constant 0 : i32
      %dma_wait3A_339 = tpu.memref_slice %arg6[%dma_wait3A_336, %dma_wait3A_337, %dma_wait3A_338] : memref<2x640x64xf32, #tpu.memory_space<vmem>> -> memref<1x128x64xf32, #tpu.memory_space<vmem>>
      %dma_wait3A_340 = tpu.memref_squeeze %dma_wait3A_339 : memref<1x128x64xf32, #tpu.memory_space<vmem>> -> memref<128x64xf32, #tpu.memory_space<vmem>>
      %dma_wait3A_341 = arith.constant 0 : i32
      %dma_wait3A_342 = tpu.memref_slice %arg5[%add3A_189, %dma_wait3A_341] : memref<200x128xi32, #tpu.memory_space<vmem>> -> memref<1x128xi32, #tpu.memory_space<vmem>>
      %dma_wait3A_343 = tpu.memref_squeeze %dma_wait3A_342 : memref<1x128xi32, #tpu.memory_space<vmem>> -> memref<128xi32, #tpu.memory_space<vmem>>
      %dma_wait3A_344 = arith.constant 0 : i32
      %dma_wait3A_345 = arith.constant 0 : i32
      %dma_wait3A_346 = tpu.memref_slice %arg3[%dma_wait3A_344, %dma_wait3A_345] : memref<2000000x64xf32, #tpu.memory_space<hbm>> -> memref<2000000x64xf32, #tpu.memory_space<hbm>>
      tpu.wait_indirect_dma semaphore(%arg8 : memref<!tpu.dma_semaphore, #tpu.memory_space<semaphore_mem>>) src(%dma_wait3A_346 : memref<2000000x64xf32, #tpu.memory_space<hbm>>) dst(%dma_wait3A_340 : memref<128x64xf32, #tpu.memory_space<vmem>>)
      %dma_wait3A_347 = arith.constant 1 : i32
      %dma_wait3A_348 = arith.constant 384 : i32
      %dma_wait3A_349 = arith.constant 0 : i32
      %dma_wait3A_350 = tpu.memref_slice %arg6[%dma_wait3A_347, %dma_wait3A_348, %dma_wait3A_349] : memref<2x640x64xf32, #tpu.memory_space<vmem>> -> memref<1x128x64xf32, #tpu.memory_space<vmem>>
      %dma_wait3A_351 = tpu.memref_squeeze %dma_wait3A_350 : memref<1x128x64xf32, #tpu.memory_space<vmem>> -> memref<128x64xf32, #tpu.memory_space<vmem>>
      %dma_wait3A_352 = arith.constant 0 : i32
      %dma_wait3A_353 = tpu.memref_slice %arg5[%add3A_208, %dma_wait3A_352] : memref<200x128xi32, #tpu.memory_space<vmem>> -> memref<1x128xi32, #tpu.memory_space<vmem>>
      %dma_wait3A_354 = tpu.memref_squeeze %dma_wait3A_353 : memref<1x128xi32, #tpu.memory_space<vmem>> -> memref<128xi32, #tpu.memory_space<vmem>>
      %dma_wait3A_355 = arith.constant 0 : i32
      %dma_wait3A_356 = arith.constant 0 : i32
      %dma_wait3A_357 = tpu.memref_slice %arg3[%dma_wait3A_355, %dma_wait3A_356] : memref<2000000x64xf32, #tpu.memory_space<hbm>> -> memref<2000000x64xf32, #tpu.memory_space<hbm>>
      tpu.wait_indirect_dma semaphore(%arg8 : memref<!tpu.dma_semaphore, #tpu.memory_space<semaphore_mem>>) src(%dma_wait3A_357 : memref<2000000x64xf32, #tpu.memory_space<hbm>>) dst(%dma_wait3A_351 : memref<128x64xf32, #tpu.memory_space<vmem>>)
      %dma_wait3A_358 = arith.constant 1 : i32
      %dma_wait3A_359 = arith.constant 512 : i32
      %dma_wait3A_360 = arith.constant 0 : i32
      %dma_wait3A_361 = tpu.memref_slice %arg6[%dma_wait3A_358, %dma_wait3A_359, %dma_wait3A_360] : memref<2x640x64xf32, #tpu.memory_space<vmem>> -> memref<1x128x64xf32, #tpu.memory_space<vmem>>
      %dma_wait3A_362 = tpu.memref_squeeze %dma_wait3A_361 : memref<1x128x64xf32, #tpu.memory_space<vmem>> -> memref<128x64xf32, #tpu.memory_space<vmem>>
      %dma_wait3A_363 = arith.constant 0 : i32
      %dma_wait3A_364 = tpu.memref_slice %arg5[%add3A_227, %dma_wait3A_363] : memref<200x128xi32, #tpu.memory_space<vmem>> -> memref<1x128xi32, #tpu.memory_space<vmem>>
      %dma_wait3A_365 = tpu.memref_squeeze %dma_wait3A_364 : memref<1x128xi32, #tpu.memory_space<vmem>> -> memref<128xi32, #tpu.memory_space<vmem>>
      %dma_wait3A_366 = arith.constant 0 : i32
      %dma_wait3A_367 = arith.constant 0 : i32
      %dma_wait3A_368 = tpu.memref_slice %arg3[%dma_wait3A_366, %dma_wait3A_367] : memref<2000000x64xf32, #tpu.memory_space<hbm>> -> memref<2000000x64xf32, #tpu.memory_space<hbm>>
      tpu.wait_indirect_dma semaphore(%arg8 : memref<!tpu.dma_semaphore, #tpu.memory_space<semaphore_mem>>) src(%dma_wait3A_368 : memref<2000000x64xf32, #tpu.memory_space<hbm>>) dst(%dma_wait3A_362 : memref<128x64xf32, #tpu.memory_space<vmem>>)
      %mul3A_369 = arith.constant 2 : i32
      %mul3A_370 = arith.muli %mul3A_369, %add3A_42 : i32
      %add3A_371 = arith.constant 1 : i32
      %add3A_372 = arith.addi %mul3A_370, %add3A_371 : i32
      %mul3A_373 = arith.constant 640 : i32
      %mul3A_374 = arith.muli %add3A_372, %mul3A_373 : i32
      %add3A_375 = arith.addi %mul3A_2, %mul3A_374 : i32
      %dma_start3A_376 = arith.constant 1 : i32
      %dma_start3A_377 = arith.constant 0 : i32
      %dma_start3A_378 = arith.constant 0 : i32
      %dma_start3A_379 = tpu.memref_slice %arg6[%dma_start3A_376, %dma_start3A_377, %dma_start3A_378] : memref<2x640x64xf32, #tpu.memory_space<vmem>> -> memref<1x640x64xf32, #tpu.memory_space<vmem>>
      %dma_start3A_380 = tpu.memref_squeeze %dma_start3A_379 : memref<1x640x64xf32, #tpu.memory_space<vmem>> -> memref<640x64xf32, #tpu.memory_space<vmem>>
      %dma_start3A_381 = arith.constant 0 : i32
      %dma_start3A_382 = tpu.memref_slice %arg4[%add3A_375, %dma_start3A_381] : memref<819200x128xf32, #tpu.memory_space<hbm>> -> memref<640x64xf32, #tpu.memory_space<hbm>>
      %dma_start3A_383 = arith.constant 0 : i32
      %dma_start3A_384 = tpu.memref_slice %arg4[%add3A_375, %dma_start3A_383] : memref<819200x128xf32, #tpu.memory_space<hbm>> -> memref<640x64xf32, #tpu.memory_space<hbm>>
      %dma_start3A_385 = arith.constant 0 : i32
      %dma_start3A_386 = arith.constant 0 : i32
      %dma_start3A_387 = tpu.memref_slice %arg6[%dma_start3A_376, %dma_start3A_385, %dma_start3A_386] : memref<2x640x64xf32, #tpu.memory_space<vmem>> -> memref<1x640x64xf32, #tpu.memory_space<vmem>>
      %dma_start3A_388 = tpu.memref_squeeze %dma_start3A_387 : memref<1x640x64xf32, #tpu.memory_space<vmem>> -> memref<640x64xf32, #tpu.memory_space<vmem>>
      tpu.enqueue_dma source(%dma_start3A_388 : memref<640x64xf32, #tpu.memory_space<vmem>>) target(%dma_start3A_384 : memref<640x64xf32, #tpu.memory_space<hbm>>) target_semaphore(%arg10 : memref<!tpu.dma_semaphore, #tpu.memory_space<semaphore_mem>>)
    }
    %scan3A_8 = arith.constant 20 : i32
    %add3A_9 = arith.constant 24320 : i32
    %add3A_10 = arith.addi %mul3A_2, %add3A_9 : i32
    %dma_wait3A = arith.constant 0 : i32
    %dma_wait3A_11 = arith.constant 0 : i32
    %dma_wait3A_12 = arith.constant 0 : i32
    %dma_wait3A_13 = tpu.memref_slice %arg6[%dma_wait3A, %dma_wait3A_11, %dma_wait3A_12] : memref<2x640x64xf32, #tpu.memory_space<vmem>> -> memref<1x640x64xf32, #tpu.memory_space<vmem>>
    %dma_wait3A_14 = tpu.memref_squeeze %dma_wait3A_13 : memref<1x640x64xf32, #tpu.memory_space<vmem>> -> memref<640x64xf32, #tpu.memory_space<vmem>>
    %dma_wait3A_15 = arith.constant 0 : i32
    %dma_wait3A_16 = tpu.memref_slice %arg4[%add3A_10, %dma_wait3A_15] : memref<819200x128xf32, #tpu.memory_space<hbm>> -> memref<640x64xf32, #tpu.memory_space<hbm>>
    %dma_wait3A_17 = arith.constant 0 : i32
    %dma_wait3A_18 = tpu.memref_slice %arg4[%add3A_10, %dma_wait3A_17] : memref<819200x128xf32, #tpu.memory_space<hbm>> -> memref<640x64xf32, #tpu.memory_space<hbm>>
    %dma_wait3A_19 = arith.constant 0 : i32
    %dma_wait3A_20 = arith.constant 0 : i32
    %dma_wait3A_21 = tpu.memref_slice %arg6[%dma_wait3A, %dma_wait3A_19, %dma_wait3A_20] : memref<2x640x64xf32, #tpu.memory_space<vmem>> -> memref<1x640x64xf32, #tpu.memory_space<vmem>>
    %dma_wait3A_22 = tpu.memref_squeeze %dma_wait3A_21 : memref<1x640x64xf32, #tpu.memory_space<vmem>> -> memref<640x64xf32, #tpu.memory_space<vmem>>
    tpu.wait_dma2 semaphore(%arg9 : memref<!tpu.dma_semaphore, #tpu.memory_space<semaphore_mem>>) src(%dma_wait3A_22 : memref<640x64xf32, #tpu.memory_space<vmem>>) dst(%dma_wait3A_18 : memref<640x64xf32, #tpu.memory_space<hbm>>)
    %add3A_23 = arith.constant 24960 : i32
    %add3A_24 = arith.addi %mul3A_2, %add3A_23 : i32
    %dma_wait3A_25 = arith.constant 1 : i32
    %dma_wait3A_26 = arith.constant 0 : i32
    %dma_wait3A_27 = arith.constant 0 : i32
    %dma_wait3A_28 = tpu.memref_slice %arg6[%dma_wait3A_25, %dma_wait3A_26, %dma_wait3A_27] : memref<2x640x64xf32, #tpu.memory_space<vmem>> -> memref<1x640x64xf32, #tpu.memory_space<vmem>>
    %dma_wait3A_29 = tpu.memref_squeeze %dma_wait3A_28 : memref<1x640x64xf32, #tpu.memory_space<vmem>> -> memref<640x64xf32, #tpu.memory_space<vmem>>
    %dma_wait3A_30 = arith.constant 0 : i32
    %dma_wait3A_31 = tpu.memref_slice %arg4[%add3A_24, %dma_wait3A_30] : memref<819200x128xf32, #tpu.memory_space<hbm>> -> memref<640x64xf32, #tpu.memory_space<hbm>>
    %dma_wait3A_32 = arith.constant 0 : i32
    %dma_wait3A_33 = tpu.memref_slice %arg4[%add3A_24, %dma_wait3A_32] : memref<819200x128xf32, #tpu.memory_space<hbm>> -> memref<640x64xf32, #tpu.memory_space<hbm>>
    %dma_wait3A_34 = arith.constant 0 : i32
    %dma_wait3A_35 = arith.constant 0 : i32
    %dma_wait3A_36 = tpu.memref_slice %arg6[%dma_wait3A_25, %dma_wait3A_34, %dma_wait3A_35] : memref<2x640x64xf32, #tpu.memory_space<vmem>> -> memref<1x640x64xf32, #tpu.memory_space<vmem>>
    %dma_wait3A_37 = tpu.memref_squeeze %dma_wait3A_36 : memref<1x640x64xf32, #tpu.memory_space<vmem>> -> memref<640x64xf32, #tpu.memory_space<vmem>>
    tpu.wait_dma2 semaphore(%arg10 : memref<!tpu.dma_semaphore, #tpu.memory_space<semaphore_mem>>) src(%dma_wait3A_37 : memref<640x64xf32, #tpu.memory_space<vmem>>) dst(%dma_wait3A_33 : memref<640x64xf32, #tpu.memory_space<hbm>>)
    return
  }
}

</mosaic_0001>

<sc_bundles>
// kernel: kernel.3.cloned.1.call-start
scs
__scs_entry_jumppad:
0x0: {  	(pc) =	sbr.rel $0x88, $3  }
0x1: {  	(tag) =	ssettag $0x0;
	lr =	simm.s32 $0x1  }
0x2: {  	[smem:$0x3F9F] =	sst lr;
	_ =	strace $0xD0000000  }
0x3: {  	_ = 	snop  }
0x4: {  	_ = 	snop  }
0x5: {  	_ = 	snop  }
0x6: {  	_ = 	snop  }
0x7: {  	_ = 	snop  }
__scs_overlays_trampoline_lowered:
0x8: {  	[smem:$0x3FAE] =	sst s0  }
0x9: {  	[smem:$0x3FAF] =	sst s1  }
0xa: {  	[smem:$0x3FB0] =	sst s2  }
0xb: {  	[smem:$0x3FB1] =	sst s3  }
0xc: {  	[smem:$0x3FB2] =	sst s4  }
0xd: {  	[smem:$0x3FB3] =	sst s5  }
0xe: {  	[smem:$0x3FB4] =	sst s6  }
0xf: {  	[smem:$0x3FB5] =	sst s7  }
0x10: {  	[smem:$0x3FB6] =	sst s8  }
0x11: {  	[smem:$0x3FB7] =	sst s9;
	s0 =	simm.s32 @!p0 $0x0  }
0x12: {  	s1 =	sld [smem:$0x3F9D];
	s0 =	simm.s32 @p0 $0x1  }
0x13: {  	[smem:$0x3FB8] =	sst s0;
	s0 =	simm.s32 @!p1 $0x0  }
0x14: {  	s2 =	sld [smem:$0x3F9C];
	s0 =	simm.s32 @p1 $0x1  }
0x15: {  	[smem:$0x3FB9] =	sst s0;
	s0 =	simm.s32 @!p2 $0x0  }
0x16: {  	s3 =	sld [smem:$0x3FDB];
	s0 =	simm.s32 @p2 $0x1  }
0x17: {  	s4 =	simm.s32 $0x1BF5;
	[smem:$0x3FBB] =	sst s0  }
0x18: {  	s0 =	sld [smem:$0x3F9E];
	_ =	swait.ge [sflag:s4], $0x0  }
0x19: {  	s7 =	sld [smem:$0x3F9F]  }
0x1a: {  	s8 =	sadd.s32 $0xFFFFE003, lr  }
0x1b: {  	s9 =	sadd.s32 $0xFFFFFEF7, lr;
	s5 =	simm.s32 $0xFFFFFFFF;
	p2 =	slt.u32 s8, $0xFFFFF086  }
0x1c: {  	p1 =	slt.u32 s9, $0xF7A;
	s5 =	simm.s32 @!p2 $0x0  }
0x1d: {  	s5 =	simm.s32 @p1 $0x1;
	p0 =	seq.s32 s7, s2  }
0x1e: {  	s7 =	smul.u32 @!p0 $0xF7A, s2;
	p2 =	seq.s32 @!p0 s5, $0x0  }
0x1f: {  	s9 =	smul.u32 $0xF7A, s1;
	s8 =	simm.s32 @!p0 $0x1BF5;
	p2 =	por !p2, p0  }
0x20: {  	[sflag:s8] =	ssyncset.s32 @!p0 $0xFFFFF086;
	s6 =	sadd.s32 @!p0 s3, s7;
	s7 =	simm.s32 @!p0 $0x108  }
0x21: {  	s3 =	sadd.s32 s3, s9;
	s6 =	sadd.s32 @!p0 $0x88, s6;
	s7 =	simm.s32 @p2 $0x1082  }
0x22: {  	[simem:s7], [sflag:s8] =	dma.local @!p0 [hbm:s6], $0xF7A  }
0x23: {  	s9 =	sor.u32 $0xD0000000, s2;
	s6 =	simm.s32 $0x108;
	_ =	swait.ge @!p0 [sflag:s8], $0x0  }
0x24: {  	s3 =	sadd.s32 $0x88, s3;
	s6 =	simm.s32 @!p1 $0x1082;
	[sflag:s4] =	ssyncset.s32 $0xFFFFF086  }
0x25: {  	[simem:s6], [sflag:s4] =	dma.local [hbm:s3], $0xF7A  }
0x26: {  	[smem:$0x3F9F] =	sst s1;
	(tag) =	ssettag s2;
	_ =	strace s9  }
0x27: {  	s1 =	sld [smem:$0x3FAF]  }
0x28: {  	s2 =	sld [smem:$0x3FB0]  }
0x29: {  	s4 =	sld [smem:$0x3FB2]  }
0x2a: {  	p0 =	seq.s32 s5, $0x0;
	s5 =	sld [smem:$0x3FB3]  }
0x2b: {  	s6 =	sld [smem:$0x3FB4]  }
0x2c: {  	s7 =	sld [smem:$0x3FB5]  }
0x2d: {  	s3 =	simm.s32 $0x108;
	s8 =	sld [smem:$0x3FB6]  }
0x2e: {  	s3 =	simm.s32 @!p0 $0x1082;
	s9 =	sld [smem:$0x3FB7]  }
0x2f: {  	lr =	sadd.s32 s0, s3;
	s0 =	sld [smem:$0x3FAE]  }
0x30: {  	s3 =	sld [smem:$0x3FB1]  }
0x31: {  	[smem:$0x3FBA] =	sst s10  }
0x32: {  	s10 =	sld [smem:$0x3FB8];
	_ =	sdelay $0x3  }
0x33: {  	p0 =	seq.s32 s10, $0x1;
	s10 =	sld [smem:$0x3FBA];
	_ =	sdelay $0x3  }
0x34: {  	[smem:$0x3FBA] =	sst s10  }
0x35: {  	s10 =	sld [smem:$0x3FB9];
	_ =	sdelay $0x3  }
0x36: {  	p1 =	seq.s32 s10, $0x1;
	s10 =	sld [smem:$0x3FBA];
	_ =	sdelay $0x3  }
0x37: {  	[smem:$0x3FBA] =	sst s10  }
0x38: {  	s10 =	sld [smem:$0x3FBB]  }
0x39: {  	_ = 	snop;
	(pc) =	sbr.ind lr, $3  }
0x3a: {  	_ = 	snop  }
0x3b: {  	_ = 	snop  }
0x3c: {  	p2 =	seq.s32 s10, $0x1;
	s10 =	sld [smem:$0x3FBA]  }
0x3d: {  	_ =	shalt  }
0x3e: {  	_ =	shalt  }
0x3f: {  	_ =	shalt  }
0x40: {  	_ =	shalt  }
0x41: {  	_ =	shalt  }
0x42: {  	_ =	shalt  }
0x43: {  	_ =	shalt  }
0x44: {  	_ =	shalt  }
0x45: {  	_ =	shalt  }
0x46: {  	_ =	shalt  }
0x47: {  	_ =	shalt  }
0x48: {  	_ =	shalt  }
0x49: {  	_ =	shalt  }
0x4a: {  	_ =	shalt  }
0x4b: {  	_ =	shalt  }
0x4c: {  	_ =	shalt  }
0x4d: {  	_ =	shalt  }
0x4e: {  	_ =	shalt  }
0x4f: {  	_ =	shalt  }
0x50: {  	_ =	shalt  }
0x51: {  	_ =	shalt  }
0x52: {  	_ =	shalt  }
0x53: {  	_ =	shalt  }
0x54: {  	_ =	shalt  }
0x55: {  	_ =	shalt  }
0x56: {  	_ =	shalt  }
0x57: {  	_ =	shalt  }
0x58: {  	_ =	shalt  }
0x59: {  	_ =	shalt  }
0x5a: {  	_ =	shalt  }
0x5b: {  	_ =	shalt  }
0x5c: {  	_ =	shalt  }
0x5d: {  	_ =	shalt  }
0x5e: {  	_ =	shalt  }
0x5f: {  	_ =	shalt  }
0x60: {  	_ =	shalt  }
0x61: {  	_ =	shalt  }
0x62: {  	_ =	shalt  }
0x63: {  	_ =	shalt  }
0x64: {  	_ =	shalt  }
0x65: {  	_ =	shalt  }
0x66: {  	_ =	shalt  }
0x67: {  	_ =	shalt  }
0x68: {  	_ =	shalt  }
0x69: {  	_ =	shalt  }
0x6a: {  	_ =	shalt  }
0x6b: {  	_ =	shalt  }
0x6c: {  	_ =	shalt  }
0x6d: {  	_ =	shalt  }
0x6e: {  	_ =	shalt  }
0x6f: {  	_ =	shalt  }
0x70: {  	_ =	shalt  }
0x71: {  	_ =	shalt  }
0x72: {  	_ =	shalt  }
0x73: {  	_ =	shalt  }
0x74: {  	_ =	shalt  }
0x75: {  	_ =	shalt  }
0x76: {  	_ =	shalt  }
0x77: {  	_ =	shalt  }
0x78: {  	_ =	shalt  }
0x79: {  	_ =	shalt  }
0x7a: {  	_ =	shalt  }
0x7b: {  	_ =	shalt  }
0x7c: {  	_ =	shalt  }
0x7d: {  	_ =	shalt  }
0x7e: {  	_ =	shalt  }
0x7f: {  	_ =	shalt  }
0x80: {  	_ =	shalt  }
0x81: {  	_ =	shalt  }
0x82: {  	_ =	shalt  }
0x83: {  	_ =	shalt  }
0x84: {  	_ =	shalt  }
0x85: {  	_ =	shalt  }
0x86: {  	_ =	shalt  }
0x87: {  	_ =	shalt  }
.Lfunc_end0:
.L_simem_size_0:
called_computation.2_lowered:
.L_overlay_start_0:
0x88: {  	s2 =	sld [smem:$0x3FD9]  }
0x89: {  	s3 =	sld [smem:$0x3FFE];
	_ =	sdelay $0x1  }
0x8a: {  	s1 =	srdreg.scid  }
0x8b: {  	s0 =	sand.u32 $0x1, s1  }
0x8c: {  	s17 =	sshll.u32 s0, $0xA;
	s2 =	sadd.s32 s3, s2  }
0x8d: {  	s2 =	sadd.s32 s2, s17  }
0x8e: {  	[smem:$0x3FC6] =	sst s2  }
0x8f: {  	_ = 	snop  }
0x90: {  	s2 =	sld [smem:$0x3FD0];
	(tm) =	ssettm $0x1  }
0x91: {  	s18 =	sld [smem:$0x3FFB];
	_ =	sdelay $0x3  }
0x92: {  	_ =	strace s18  }
0x93: {  	s3 =	sld [smem:$0x3FFC];
	_ =	sdelay $0x3  }
0x94: {  	_ =	strace s3  }
0x95: {  	s3 =	sld [smem:$0x3FFD];
	_ =	sdelay $0x3  }
0x96: {  	_ =	strace s3  }
0x97: {  	_ =	strace $0x8FFFFFFF  }
0x98: {  	s19 =	sld [smem:$0x3FDB];
	_ =	sdelay $0x1  }
0x99: {  	s4 =	simm.s32 $_scs_section_size  }
0x9a: {  	s5 =	simm.s32 $_size__tile_overlayer_lowered;
	s6 =	simm.s32 $_tile_overlayer_lowered  }
0x9b: {  	s22 =	simm.s32 $0x1BFF;
	s21 =	sshll.u32 s6, $0x1;
	s3 =	sadd.s32 s4, s19  }
0x9c: {  	s7 =	simm.s32 $0x0;
	s20 =	sshll.u32 s5, $0x1;
	s5 =	sadd.s32 s21, s3  }
0x9d: {  	[timem:s7], [sflag:s22] =	dma.local [hbm:s5], s20  }
0x9e: {  	_ =	swait.ge [sflag:s22], s20  }
0x9f: {  	s4 =	ssub.s32 $0x0, s20;
	[sflag:s22] =	ssyncset.done $0x0  }
0xa0: {  	[sflag:s22] =	ssyncadd.s32 s4;
	_ =	sdelay $0x1  }
0xa1: {  	s23 =	simm.s32 $0x1B8B  }
0xa2: {  	_ =	swait.ge [sflag:s23], $0x1  }
0xa3: {  	[sflag:s23] =	ssyncset.done $0x0  }
0xa4: {  	s25 =	simm.s32 $0x1B8E;
	s24 =	sld [smem:$0x3FFE];
	[sflag:s23] =	ssyncadd.s32 $0xFFFFFFFF  }
0xa5: {  	s26 =	simm.s32 $execute0_lowered;
	[smem:$0x3FD2] =	sst s25  }
0xa6: {  	s5 =	sshll.u32 s26, $0x1;
	_ =	strace $0x80000049;
	[dreg:$0x1] =	wrdreg $0xFFFFFFFF  }
0xa7: {  	s28 =	simm.s32 $_size_execute0_lowered;
	s3 =	sadd.s32 s3, s5;
	[dreg:$0x0] =	wrdreg $0x0  }
0xa8: {  	s5 =	sshll.u32 s28, $0x1;
	[dreg:$0x2] =	wrdreg s3  }
0xa9: {  	[dreg:$0x3] =	wrdreg s5  }
0xaa: {  	[dreg:$0x4] =	wrdreg $0xC0  }
0xab: {  	_ =	task [dreg:s7], $0x5FFFF  }
0xac: {  	[dreg:$0x1] =	wrdreg $0xFFFFFFFF  }
0xad: {  	[dreg:$0x0] =	wrdreg $0x60  }
0xae: {  	[dreg:$0x2] =	wrdreg s2  }
0xaf: {  	[dreg:$0x3] =	wrdreg s24  }
0xb0: {  	[dreg:$0x4] =	wrdreg $0x9  }
0xb1: {  	_ =	task.clear_ibuf [dreg:s7], $0x5FFFF;
	_ =	strace $0x90000049  }
0xb2: {  	s29 =	simm.s32 $0x9;
	_ =	strace $0x8000004B  }
0xb3: {  	_ =	swait.ge [sflag:s29], $0x1  }
0xb4: {  	[sflag:s29] =	ssyncadd.s32 $0xFFFFFFFF  }
0xb5: {  	_ =	strace $0x9000004B  }
0xb6: {  	_ =	sfence  }
0xb7: {  	s30 =	sld [smem:$0x0];
	_ =	sdelay $0x2  }
0xb8: {  	s31 =	sshll.u32 s1, $0xD;
	s1 =	sshrl.u32 s1, $0x2  }
0xb9: {  	s3 =	sand.u32 $0x4000, s31;
	s1 =	sadd.s32 s1, s30  }
0xba: {  	s0 =	sor.u32 s3, s0;
	s1 =	sshll.u32 s1, $0x11  }
0xbb: {  	s0 =	sor.u32 s1, s0  }
0xbc: {  	s0 =	sadd.s32 $0x8F2B, s0  }
0xbd: {  	[sflag:s0] =	ssyncadd.remote.s32 $0x1  }
0xbe: {  	_ =	sfence.sel $0xFFFF  }
0xbf: {  	[dreg:$0x0] =	wrdreg $0xFFFFFFFF;
	(pc) =	sbr.abs _section_cstart, $3  }
0xc0: {  	[dreg:$0x1] =	wrdreg $0xFFFFFFFF  }
0xc1: {  	_ =	task.clear_ibuf [dreg:s7], $0x2FFFF;
	_ =	strace $0x9FFFFFFF  }
0xc2: {  	(tm) =	ssettm $0x7FFFFFFF  }
0xc3: {  	_ =	shalt  }
tec
execute0_lowered:
.L_overlay_start_1:
0x0: {  	(tag) =	ssettag $0x1  }
0x1: {  	s0 =	srdreg.scid;
	s1 =	rddreg [dreg:$0x0]  }
0x2: {  	s9 =	stileid.u32;
	s4 =	rddreg [dreg:$0x1];
	s22 =	simm.s32 $0x0  }
0x3: {  	s12 =	simm.s32 $0x6400;
	s13 =	simm.s32 $0x8400;
	s15 =	simm.s32 $0xA400  }
0x4: {  	s17 =	simm.s32 $0xC400;
	s19 =	simm.s32 $0xE400;
	s21 =	simm.s32 $0x10400  }
0x5: {  	s28 =	simm.s32 $0x16400;
	s30 =	simm.s32 $0x18400;
	s31 =	simm.s32 $0x1  }
0x6: {  	s14 =	simm.s32 $0x3;
	s16 =	simm.s32 $0x4;
	s7 =	smul.u32 $0xC8000, s9  }
0x7: {  	s0 =	sand.u32 $0x1, s0;
	s2 =	sshll.u32 s9, $0x1;
	s9 =	smul.u32 $0xC800, s9  }
0x8: {  	s18 =	simm.s32 $0x0;
	[smem:$0x7FF] =	sst s22;
	s11 =	smul.u32 $0x6400, s0  }
0x9: {  	s3 =	sor.u32 s0, s2;
	s8 =	ssub.s32 $0x2, s0;
	s0 =	smul.u32 $0x64000, s0  }
0xa: {  	s10 =	sadd.s32 $0xC00, s4;
	_ =	strace $0x8000004A;
	s5 =	smul.u32 $0xC80, s3  }
0xb: {  	s6 =	smul.u32 $0x64000, s3;
	s3 =	sadd.s32 $0xF43000, s4;
	s23 =	sshrl.u32 s8, $0x1  }
0xc: {  	s24 =	sadd.s32 s7, s10;
	s8 =	ssub.s32 s8, s23;
	s25 =	sadd.s32 s11, s9  }
0xd: {  	s0 =	sadd.s32 s0, s24;
	s11 =	simm.s32 $0x80;
	s23 =	simm.s32 $0x12400  }
0xe: {  	s4 =	sadd.s32 s1, s5;
	s5 =	smax.u32 s8, $0x1;
	s6 =	sadd.s32 s10, s6  }
0xf: {  	s26 =	sshll.u32 s25, $0x4;
	s8 =	sadd.s32 $0x5000, s0;
	s25 =	simm.s32 $0x14400  }
0x10: {  	s1 =	simm.s32 $0x40;
	s0 =	simm.s32 $0x2;
	s29 =	sadd.s32 s10, s26  }
0x11: {  	s7 =	sadd.s32 $0x2800, s6;
	s10 =	simm.s32 $0x5;
	s26 =	sadd.s32 $0x7800, s29  }
.LBB2_1:
0x12: {  	s2 =	simm.s32 $0x0  }
0x13: {  	[tilespmem:s2], [sflag:$0x5] =	stream.linear.gather [hbm4b:s4+s2], $0x6400, $0x38;
	[tilespmem:$0x1A400] =	vst v63  }
0x14: {  	_ =	swait.ge [sflag:s10], $0x6400  }
0x15: {  	[sflag:s10] =	ssyncset.done $0x0  }
0x16: {  	[sflag:s10] =	ssyncadd.s32 $0xFFFF9C00  }
0x17: {  	[tilespmem:s12], [sflag:$0x1] =	stream.indirect.gather [hbm4b:s3+s11], $0x40, s2, s11, $0xb8;
	[tilespmem:$0x1A400] =	vst v63  }
0x18: {  	_ = 	snop  }
0x19: {  	[tilespmem:s13], [sflag:$0x1] =	stream.indirect.gather [hbm4b:s3+s11], $0x40, s11, s11, $0xb8;
	[tilespmem:$0x1A400] =	vst v63  }
0x1a: {  	s24 =	simm.s32 $0x100  }
0x1b: {  	[tilespmem:s15], [sflag:$0x1] =	stream.indirect.gather [hbm4b:s3+s11], $0x40, s24, s11, $0xb8;
	[tilespmem:$0x1A400] =	vst v63  }
0x1c: {  	s29 =	simm.s32 $0x180  }
0x1d: {  	[tilespmem:s17], [sflag:$0x1] =	stream.indirect.gather [hbm4b:s3+s11], $0x40, s29, s11, $0xb8;
	[tilespmem:$0x1A400] =	vst v63  }
0x1e: {  	s9 =	simm.s32 $0x200  }
0x1f: {  	[tilespmem:s19], [sflag:$0x1] =	stream.indirect.gather [hbm4b:s3+s11], $0x40, s9, s11, $0xb8;
	[tilespmem:$0x1A400] =	vst v63  }
0x20: {  	s20 =	simm.s32 $0x280  }
0x21: {  	[tilespmem:s21], [sflag:$0x2] =	stream.indirect.gather [hbm4b:s3+s11], $0x40, s20, s11, $0xb8;
	[tilespmem:$0x1A400] =	vst v63  }
0x22: {  	s22 =	simm.s32 $0x300  }
0x23: {  	[tilespmem:s23], [sflag:$0x2] =	stream.indirect.gather [hbm4b:s3+s11], $0x40, s22, s11, $0xb8;
	[tilespmem:$0x1A400] =	vst v63  }
0x24: {  	s24 =	simm.s32 $0x380  }
0x25: {  	[tilespmem:s25], [sflag:$0x2] =	stream.indirect.gather [hbm4b:s3+s11], $0x40, s24, s11, $0xb8;
	[tilespmem:$0x1A400] =	vst v63  }
0x26: {  	s29 =	simm.s32 $0x400  }
0x27: {  	[tilespmem:s28], [sflag:$0x2] =	stream.indirect.gather [hbm4b:s3+s11], $0x40, s29, s11, $0xb8;
	[tilespmem:$0x1A400] =	vst v63  }
0x28: {  	s9 =	simm.s32 $0x480  }
0x29: {  	[tilespmem:s30], [sflag:$0x2] =	stream.indirect.gather [hbm4b:s3+s11], $0x40, s9, s11, $0xb8;
	[tilespmem:$0x1A400] =	vst v63  }
0x2a: {  	_ =	swait.ge [sflag:s31], $0x2000  }
0x2b: {  	[sflag:s31] =	ssyncset.done $0x0  }
0x2c: {  	[sflag:s31] =	ssyncadd.s32 $0xFFFFE000  }
0x2d: {  	_ =	swait.ge [sflag:s31], $0x2000  }
0x2e: {  	[sflag:s31] =	ssyncset.done $0x0  }
0x2f: {  	[sflag:s31] =	ssyncadd.s32 $0xFFFFE000  }
0x30: {  	_ =	swait.ge [sflag:s31], $0x2000  }
0x31: {  	[sflag:s31] =	ssyncset.done $0x0  }
0x32: {  	[sflag:s31] =	ssyncadd.s32 $0xFFFFE000  }
0x33: {  	_ =	swait.ge [sflag:s31], $0x2000  }
0x34: {  	[sflag:s31] =	ssyncset.done $0x0  }
0x35: {  	[sflag:s31] =	ssyncadd.s32 $0xFFFFE000  }
0x36: {  	_ =	swait.ge [sflag:s31], $0x2000  }
0x37: {  	[sflag:s31] =	ssyncset.done $0x0  }
0x38: {  	[sflag:s31] =	ssyncadd.s32 $0xFFFFE000  }
0x39: {  	[hbm4b:s6+s1] =	stream.strided.scatter [tilespmem:s12], [sflag:$0x3], $0xA000, s11, s1, $0x38;
	[tilespmem:$0x1A400] =	vst v63  }
0x3a: {  	_ =	swait.ge [sflag:s0], $0x2000  }
0x3b: {  	[sflag:s0] =	ssyncset.done $0x0  }
0x3c: {  	[sflag:s0] =	ssyncadd.s32 $0xFFFFE000  }
0x3d: {  	_ =	swait.ge [sflag:s0], $0x2000  }
0x3e: {  	[sflag:s0] =	ssyncset.done $0x0  }
0x3f: {  	[sflag:s0] =	ssyncadd.s32 $0xFFFFE000  }
0x40: {  	_ =	swait.ge [sflag:s0], $0x2000  }
0x41: {  	[sflag:s0] =	ssyncset.done $0x0  }
0x42: {  	[sflag:s0] =	ssyncadd.s32 $0xFFFFE000  }
0x43: {  	_ =	swait.ge [sflag:s0], $0x2000  }
0x44: {  	[sflag:s0] =	ssyncset.done $0x0  }
0x45: {  	[sflag:s0] =	ssyncadd.s32 $0xFFFFE000  }
0x46: {  	_ =	swait.ge [sflag:s0], $0x2000  }
0x47: {  	[sflag:s0] =	ssyncset.done $0x0  }
0x48: {  	[sflag:s0] =	ssyncadd.s32 $0xFFFFE000  }
0x49: {  	[hbm4b:s7+s1] =	stream.strided.scatter [tilespmem:s21], [sflag:$0x4], $0xA000, s11, s1, $0x38;
	[tilespmem:$0x1A400] =	vst v63  }
0x4a: {  	_ =	swait.ge [sflag:s14], $0xA000  }
0x4b: {  	[sflag:s14] =	ssyncset.done $0x0  }
0x4c: {  	s9 =	simm.s32 $0x500;
	[sflag:s14] =	ssyncadd.s32 $0xFFFF6000  }
0x4d: {  	[tilespmem:s12], [sflag:$0x1] =	stream.indirect.gather [hbm4b:s3+s11], $0x40, s9, s11, $0xb8;
	[tilespmem:$0x1A400] =	vst v63  }
0x4e: {  	s20 =	simm.s32 $0x580  }
0x4f: {  	[tilespmem:s13], [sflag:$0x1] =	stream.indirect.gather [hbm4b:s3+s11], $0x40, s20, s11, $0xb8;
	[tilespmem:$0x1A400] =	vst v63  }
0x50: {  	s22 =	simm.s32 $0x600  }
0x51: {  	[tilespmem:s15], [sflag:$0x1] =	stream.indirect.gather [hbm4b:s3+s11], $0x40, s22, s11, $0xb8;
	[tilespmem:$0x1A400] =	vst v63  }
0x52: {  	s24 =	simm.s32 $0x680  }
0x53: {  	[tilespmem:s17], [sflag:$0x1] =	stream.indirect.gather [hbm4b:s3+s11], $0x40, s24, s11, $0xb8;
	[tilespmem:$0x1A400] =	vst v63  }
0x54: {  	s29 =	simm.s32 $0x700  }
0x55: {  	[tilespmem:s19], [sflag:$0x1] =	stream.indirect.gather [hbm4b:s3+s11], $0x40, s29, s11, $0xb8;
	[tilespmem:$0x1A400] =	vst v63  }
0x56: {  	_ =	swait.ge [sflag:s16], $0xA000  }
0x57: {  	[sflag:s16] =	ssyncset.done $0x0  }
0x58: {  	s2 =	simm.s32 $0x780;
	[sflag:s16] =	ssyncadd.s32 $0xFFFF6000  }
0x59: {  	[tilespmem:s21], [sflag:$0x2] =	stream.indirect.gather [hbm4b:s3+s11], $0x40, s2, s11, $0xb8;
	[tilespmem:$0x1A400] =	vst v63  }
0x5a: {  	s20 =	simm.s32 $0x800  }
0x5b: {  	[tilespmem:s23], [sflag:$0x2] =	stream.indirect.gather [hbm4b:s3+s11], $0x40, s20, s11, $0xb8;
	[tilespmem:$0x1A400] =	vst v63  }
0x5c: {  	s22 =	simm.s32 $0x880  }
0x5d: {  	[tilespmem:s25], [sflag:$0x2] =	stream.indirect.gather [hbm4b:s3+s11], $0x40, s22, s11, $0xb8;
	[tilespmem:$0x1A400] =	vst v63  }
0x5e: {  	s24 =	simm.s32 $0x900  }
0x5f: {  	[tilespmem:s28], [sflag:$0x2] =	stream.indirect.gather [hbm4b:s3+s11], $0x40, s24, s11, $0xb8;
	[tilespmem:$0x1A400] =	vst v63  }
0x60: {  	s29 =	simm.s32 $0x980  }
0x61: {  	[tilespmem:s30], [sflag:$0x2] =	stream.indirect.gather [hbm4b:s3+s11], $0x40, s29, s11, $0xb8;
	[tilespmem:$0x1A400] =	vst v63  }
0x62: {  	_ =	swait.ge [sflag:s31], $0x2000  }
0x63: {  	[sflag:s31] =	ssyncset.done $0x0  }
0x64: {  	[sflag:s31] =	ssyncadd.s32 $0xFFFFE000  }
0x65: {  	_ =	swait.ge [sflag:s31], $0x2000  }
0x66: {  	[sflag:s31] =	ssyncset.done $0x0  }
0x67: {  	[sflag:s31] =	ssyncadd.s32 $0xFFFFE000  }
0x68: {  	_ =	swait.ge [sflag:s31], $0x2000  }
0x69: {  	[sflag:s31] =	ssyncset.done $0x0  }
0x6a: {  	[sflag:s31] =	ssyncadd.s32 $0xFFFFE000  }
0x6b: {  	_ =	swait.ge [sflag:s31], $0x2000  }
0x6c: {  	[sflag:s31] =	ssyncset.done $0x0  }
0x6d: {  	[sflag:s31] =	ssyncadd.s32 $0xFFFFE000  }
0x6e: {  	_ =	swait.ge [sflag:s31], $0x2000  }
0x6f: {  	[sflag:s31] =	ssyncset.done $0x0  }
0x70: {  	[sflag:s31] =	ssyncadd.s32 $0xFFFFE000  }
0x71: {  	[hbm4b:s8+s1] =	stream.strided.scatter [tilespmem:s12], [sflag:$0x3], $0xA000, s11, s1, $0x38;
	[tilespmem:$0x1A400] =	vst v63  }
0x72: {  	_ =	swait.ge [sflag:s0], $0x2000  }
0x73: {  	[sflag:s0] =	ssyncset.done $0x0  }
0x74: {  	[sflag:s0] =	ssyncadd.s32 $0xFFFFE000  }
0x75: {  	_ =	swait.ge [sflag:s0], $0x2000  }
0x76: {  	[sflag:s0] =	ssyncset.done $0x0  }
0x77: {  	[sflag:s0] =	ssyncadd.s32 $0xFFFFE000  }
0x78: {  	_ =	swait.ge [sflag:s0], $0x2000  }
0x79: {  	[sflag:s0] =	ssyncset.done $0x0  }
0x7a: {  	[sflag:s0] =	ssyncadd.s32 $0xFFFFE000  }
0x7b: {  	_ =	swait.ge [sflag:s0], $0x2000  }
0x7c: {  	[sflag:s0] =	ssyncset.done $0x0  }
0x7d: {  	[sflag:s0] =	ssyncadd.s32 $0xFFFFE000  }
0x7e: {  	_ =	swait.ge [sflag:s0], $0x2000  }
0x7f: {  	s9 =	smov.u32 s26;
	s20 =	simm.s32 $0x1400;
	[sflag:s0] =	ssyncset.done $0x0  }
0x80: {  	s22 =	sadd.s32 $0x5000, s8;
	s24 =	sadd.s32 $0x5000, s26;
	[sflag:s0] =	ssyncadd.s32 $0xFFFFE000  }
.LBB2_2:
0x81: {  	[hbm4b:s9+s1] =	stream.strided.scatter [tilespmem:s21], [sflag:$0x4], $0xA000, s11, s1, $0x38;
	[tilespmem:$0x1A400] =	vst v63  }
0x82: {  	s29 =	smov.u32 s20;
	s9 =	smov.u32 s24  }
0x83: {  	p0 =	sne.s32 s20, $0x16800;
	s20 =	sadd.s32 $0x1400, s20;
	_ =	swait.ge [sflag:s14], $0xA000  }
0x84: {  	s29 =	sshra.s32 s29, $0x2;
	[sflag:s14] =	ssyncset.done $0x0  }
0x85: {  	s2 =	sadd.s32 $0x500, s29;
	[sflag:s14] =	ssyncadd.s32 $0xFFFF6000  }
0x86: {  	[tilespmem:s12], [sflag:$0x1] =	stream.indirect.gather [hbm4b:s3+s11], $0x40, s2, s11, $0xb8;
	[tilespmem:$0x1A400] =	vst v63  }
0x87: {  	s2 =	sadd.s32 $0x580, s29  }
0x88: {  	[tilespmem:s13], [sflag:$0x1] =	stream.indirect.gather [hbm4b:s3+s11], $0x40, s2, s11, $0xb8;
	[tilespmem:$0x1A400] =	vst v63  }
0x89: {  	s2 =	sadd.s32 $0x600, s29  }
0x8a: {  	[tilespmem:s15], [sflag:$0x1] =	stream.indirect.gather [hbm4b:s3+s11], $0x40, s2, s11, $0xb8;
	[tilespmem:$0x1A400] =	vst v63  }
0x8b: {  	s2 =	sadd.s32 $0x680, s29  }
0x8c: {  	[tilespmem:s17], [sflag:$0x1] =	stream.indirect.gather [hbm4b:s3+s11], $0x40, s2, s11, $0xb8;
	[tilespmem:$0x1A400] =	vst v63  }
0x8d: {  	s2 =	sadd.s32 $0x700, s29  }
0x8e: {  	[tilespmem:s19], [sflag:$0x1] =	stream.indirect.gather [hbm4b:s3+s11], $0x40, s2, s11, $0xb8;
	[tilespmem:$0x1A400] =	vst v63  }
0x8f: {  	_ =	swait.ge [sflag:s16], $0xA000  }
0x90: {  	[sflag:s16] =	ssyncset.done $0x0  }
0x91: {  	s2 =	sadd.s32 $0x780, s29;
	[sflag:s16] =	ssyncadd.s32 $0xFFFF6000  }
0x92: {  	[tilespmem:s21], [sflag:$0x2] =	stream.indirect.gather [hbm4b:s3+s11], $0x40, s2, s11, $0xb8;
	[tilespmem:$0x1A400] =	vst v63  }
0x93: {  	s2 =	sadd.s32 $0x800, s29  }
0x94: {  	[tilespmem:s23], [sflag:$0x2] =	stream.indirect.gather [hbm4b:s3+s11], $0x40, s2, s11, $0xb8;
	[tilespmem:$0x1A400] =	vst v63  }
0x95: {  	s2 =	sadd.s32 $0x880, s29  }
0x96: {  	[tilespmem:s25], [sflag:$0x2] =	stream.indirect.gather [hbm4b:s3+s11], $0x40, s2, s11, $0xb8;
	[tilespmem:$0x1A400] =	vst v63  }
0x97: {  	s2 =	sadd.s32 $0x900, s29  }
0x98: {  	[tilespmem:s28], [sflag:$0x2] =	stream.indirect.gather [hbm4b:s3+s11], $0x40, s2, s11, $0xb8;
	[tilespmem:$0x1A400] =	vst v63  }
0x99: {  	s2 =	sadd.s32 $0x980, s29  }
0x9a: {  	[tilespmem:s30], [sflag:$0x2] =	stream.indirect.gather [hbm4b:s3+s11], $0x40, s2, s11, $0xb8;
	[tilespmem:$0x1A400] =	vst v63  }
0x9b: {  	_ =	swait.ge [sflag:s31], $0x2000  }
0x9c: {  	[sflag:s31] =	ssyncset.done $0x0  }
0x9d: {  	[sflag:s31] =	ssyncadd.s32 $0xFFFFE000  }
0x9e: {  	_ =	swait.ge [sflag:s31], $0x2000  }
0x9f: {  	[sflag:s31] =	ssyncset.done $0x0  }
0xa0: {  	[sflag:s31] =	ssyncadd.s32 $0xFFFFE000  }
0xa1: {  	_ =	swait.ge [sflag:s31], $0x2000  }
0xa2: {  	[sflag:s31] =	ssyncset.done $0x0  }
0xa3: {  	[sflag:s31] =	ssyncadd.s32 $0xFFFFE000  }
0xa4: {  	_ =	swait.ge [sflag:s31], $0x2000  }
0xa5: {  	[sflag:s31] =	ssyncset.done $0x0  }
0xa6: {  	[sflag:s31] =	ssyncadd.s32 $0xFFFFE000  }
0xa7: {  	_ =	swait.ge [sflag:s31], $0x2000  }
0xa8: {  	[sflag:s31] =	ssyncset.done $0x0  }
0xa9: {  	[sflag:s31] =	ssyncadd.s32 $0xFFFFE000  }
0xaa: {  	[hbm4b:s22+s1] =	stream.strided.scatter [tilespmem:s12], [sflag:$0x3], $0xA000, s11, s1, $0x38;
	[tilespmem:$0x1A400] =	vst v63  }
0xab: {  	_ =	swait.ge [sflag:s0], $0x2000  }
0xac: {  	[sflag:s0] =	ssyncset.done $0x0  }
0xad: {  	[sflag:s0] =	ssyncadd.s32 $0xFFFFE000  }
0xae: {  	_ =	swait.ge [sflag:s0], $0x2000  }
0xaf: {  	[sflag:s0] =	ssyncset.done $0x0  }
0xb0: {  	[sflag:s0] =	ssyncadd.s32 $0xFFFFE000  }
0xb1: {  	_ =	swait.ge [sflag:s0], $0x2000  }
0xb2: {  	[sflag:s0] =	ssyncset.done $0x0  }
0xb3: {  	[sflag:s0] =	ssyncadd.s32 $0xFFFFE000  }
0xb4: {  	_ =	swait.ge [sflag:s0], $0x2000  }
.Ltmp0:
0xb5: {  	[sflag:s0] =	ssyncset.done $0x0;
	(pc) =	sbr.rel @p0 .LBB2_2-.Ltmp0, $4  }
0xb6: {  	[sflag:s0] =	ssyncadd.s32 $0xFFFFE000  }
0xb7: {  	_ =	swait.ge [sflag:s0], $0x2000  }
0xb8: {  	[sflag:s0] =	ssyncset.done $0x0  }
0xb9: {  	s24 =	sadd.s32 $0x5000, s24;
	s22 =	sadd.s32 $0x5000, s22;
	[sflag:s0] =	ssyncadd.s32 $0xFFFFE000  }
0xba: {  	[hbm4b:s9+s1] =	stream.strided.scatter [tilespmem:s21], [sflag:$0x4], $0xA000, s11, s1, $0x38;
	[tilespmem:$0x1A400] =	vst v63  }
0xbb: {  	s18 =	sadd.s32 $0x1, s18  }
0xbc: {  	_ =	swait.ge [sflag:s14], $0xA000;
	p0 =	sne.s32 s18, s5  }
.Ltmp1:
0xbd: {  	[sflag:s14] =	ssyncset.done $0x0;
	(pc) =	sbr.rel @p0 .LBB2_1-.Ltmp1, $4  }
0xbe: {  	[sflag:s14] =	ssyncadd.s32 $0xFFFF6000  }
0xbf: {  	_ =	swait.ge [sflag:s16], $0xA000  }
0xc0: {  	[sflag:s16] =	ssyncset.done $0x0  }
0xc1: {  	[sflag:s16] =	ssyncadd.s32 $0xFFFF6000  }
0xc2: {  	_ =	sfence.sel $0x180000  }
0xc3: {  	[bflag:$0x0] =	sbarrier.arrive $0xFFFF  }
0xc4: {  	_ =	strace $0x9000004A  }
0xc5: {  	s0 =	stileid.u32;
	[bflag:$0x2] =	sbarrier.arrive $0xFFFF  }
0xc6: {  	p0 =	sne.s32 s0, $0x0;
	s0 =	rddreg [dreg:$0x2]  }
0xc7: {  	s0 =	sadd.s32 @!p0 $0x100000, s0  }
0xc8: {  	[sflag:s0] =	ssyncadd.tile.s32 @!p0 $0x1;
	_ =	shalt  }
.Lfunc_end2:
_tile_overlayer_lowered:
.L_overlay_start_2:
0xc9: {  	(tag) =	ssettag $0x2  }
0xca: {  	s0 =	rddreg [dreg:$0x0];
	s2 =	stileid.u32  }
0xcb: {  	s1 =	rddreg [dreg:$0x1];
	p0 =	sne.s32 s2, $0x0  }
0xcc: {  	s3 =	rddreg [dreg:$0x2];
	[bflag:$0x3] =	sbarrier.arrive $0xFFFF;
	s2 =	simm.s32 @!p0 $0x1C05  }
0xcd: {  	[timem:s3], [sflag:s2] =	dma.local @!p0 [hbm:s0], s1  }
0xce: {  	s0 =	simm.s32 @!p0 $0x5  }
0xcf: {  	_ =	swait.ge @!p0 [sflag:s0], s1  }
0xd0: {  	s1 =	ssub.s32 @!p0 $0x0, s1;
	[sflag:s0] =	ssyncset.done @!p0 $0x0  }
0xd1: {  	[sflag:s0] =	ssyncadd.s32 @!p0 s1  }
0xd2: {  	[bflag:$0x3] =	sbarrier.arrive $0xFFFF  }
0xd3: {  	_ =	shalt  }

// kernel: sparse-core-data-format-call.1.cloned.1.call-start
scs
called_computation.1_lowered:
.L_overlay_start_0:
0x0: {  	s2 =	sld [smem:$0x3FD9]  }
0x1: {  	s3 =	sld [smem:$0x3FFE];
	_ =	sdelay $0x1  }
0x2: {  	s1 =	srdreg.scid  }
0x3: {  	s0 =	sand.u32 $0x1, s1  }
0x4: {  	s18 =	sshll.u32 s0, $0xA;
	s2 =	sadd.s32 s3, s2  }
0x5: {  	s2 =	sadd.s32 s2, s18  }
0x6: {  	[smem:$0x3FC6] =	sst s2  }
0x7: {  	_ = 	snop  }
0x8: {  	s2 =	sld [smem:$0x3FC8];
	(tm) =	ssettm $0x1  }
0x9: {  	s19 =	sld [smem:$0x3FFB];
	_ =	sdelay $0x3  }
0xa: {  	_ =	strace s19  }
0xb: {  	s3 =	sld [smem:$0x3FFC];
	_ =	sdelay $0x3  }
0xc: {  	_ =	strace s3  }
0xd: {  	s3 =	sld [smem:$0x3FFD];
	_ =	sdelay $0x3  }
0xe: {  	_ =	strace s3  }
0xf: {  	_ =	strace $0x8FFFFFFF  }
0x10: {  	s20 =	sld [smem:$0x3FDB];
	_ =	sdelay $0x1  }
0x11: {  	s4 =	simm.s32 $_scs_section_size  }
0x12: {  	s5 =	simm.s32 $_size__tile_overlayer_lowered;
	s6 =	simm.s32 $_tile_overlayer_lowered  }
0x13: {  	s23 =	simm.s32 $0x1BFF;
	s22 =	sshll.u32 s6, $0x1;
	s3 =	sadd.s32 s4, s20  }
0x14: {  	s7 =	simm.s32 $0x0;
	s21 =	sshll.u32 s5, $0x1;
	s5 =	sadd.s32 s22, s3  }
0x15: {  	[timem:s7], [sflag:s23] =	dma.local [hbm:s5], s21  }
0x16: {  	_ =	swait.ge [sflag:s23], s21  }
0x17: {  	s4 =	ssub.s32 $0x0, s21;
	[sflag:s23] =	ssyncset.done $0x0  }
0x18: {  	[sflag:s23] =	ssyncadd.s32 s4;
	_ =	sdelay $0x1  }
0x19: {  	s24 =	simm.s32 $0x1B8B  }
0x1a: {  	_ =	swait.ge [sflag:s24], $0x1  }
0x1b: {  	[sflag:s24] =	ssyncset.done $0x0  }
0x1c: {  	s26 =	simm.s32 $0x1B8E;
	s25 =	sld [smem:$0x3FFE];
	[sflag:s24] =	ssyncadd.s32 $0xFFFFFFFF  }
0x1d: {  	s27 =	simm.s32 $execute0_lowered;
	[smem:$0x3FD2] =	sst s26  }
0x1e: {  	s5 =	sshll.u32 s27, $0x1;
	_ =	strace $0x80000046;
	[dreg:$0x1] =	wrdreg $0xFFFFFFFF  }
0x1f: {  	s28 =	simm.s32 $_size_execute0_lowered;
	s3 =	sadd.s32 s3, s5;
	[dreg:$0x0] =	wrdreg $0x0  }
0x20: {  	s5 =	sshll.u32 s28, $0x1;
	[dreg:$0x2] =	wrdreg s3  }
0x21: {  	[dreg:$0x3] =	wrdreg s5  }
0x22: {  	[dreg:$0x4] =	wrdreg $0xC0  }
0x23: {  	_ =	task [dreg:s7], $0x5FFFF  }
0x24: {  	[dreg:$0x1] =	wrdreg $0xFFFFFFFF  }
0x25: {  	[dreg:$0x0] =	wrdreg $0x60  }
0x26: {  	[dreg:$0x2] =	wrdreg s2  }
0x27: {  	[dreg:$0x3] =	wrdreg s25  }
0x28: {  	[dreg:$0x4] =	wrdreg $0x9  }
0x29: {  	_ =	task.clear_ibuf [dreg:s7], $0x5FFFF;
	_ =	strace $0x90000046  }
0x2a: {  	s29 =	simm.s32 $0x9;
	_ =	strace $0x80000048  }
0x2b: {  	_ =	swait.ge [sflag:s29], $0x1  }
0x2c: {  	[sflag:s29] =	ssyncadd.s32 $0xFFFFFFFF  }
0x2d: {  	_ =	strace $0x90000048  }
0x2e: {  	_ =	sfence  }
0x2f: {  	s30 =	sld [smem:$0x0];
	_ =	sdelay $0x2  }
0x30: {  	s31 =	sshll.u32 s1, $0xD;
	s1 =	sshrl.u32 s1, $0x2  }
0x31: {  	s3 =	sand.u32 $0x4000, s31;
	s1 =	sadd.s32 s1, s30  }
0x32: {  	s0 =	sor.u32 s3, s0;
	s1 =	sshll.u32 s1, $0x11  }
0x33: {  	s0 =	sor.u32 s1, s0  }
0x34: {  	s0 =	sadd.s32 $0x8F2B, s0  }
0x35: {  	[sflag:s0] =	ssyncadd.remote.s32 $0x1  }
0x36: {  	_ =	sfence.sel $0xFFFF  }
0x37: {  	[dreg:$0x0] =	wrdreg $0xFFFFFFFF;
	(pc) =	sbr.abs _section_cstart, $3  }
0x38: {  	[dreg:$0x1] =	wrdreg $0xFFFFFFFF  }
0x39: {  	_ =	task.clear_ibuf [dreg:s7], $0x2FFFF;
	_ =	strace $0x9FFFFFFF  }
0x3a: {  	(tm) =	ssettm $0x7FFFFFFF  }
0x3b: {  	_ =	shalt  }
tec
execute0_lowered:
.L_overlay_start_1:
0x0: {  	(tag) =	ssettag $0x1  }
0x1: {  	s0 =	srdreg.scid;
	s2 =	rddreg [dreg:$0x0]  }
0x2: {  	s5 =	rddreg [dreg:$0x1];
	s1 =	stileid.u32  }
0x3: {  	s4 =	simm.s32 $0x1;
	s6 =	simm.s32 $0x2;
	s15 =	simm.s32 $0x0  }
0x4: {  	p0 =	por $0x0, $0x0;
	s8 =	simm.s32 $0x80;
	s0 =	sshll.u32 s0, $0x4  }
0x5: {  	s14 =	simm.s32 $0x0;
	s9 =	simm.s32 $0x0;
	s3 =	sand.u32 $0x10, s0  }
.Ltmp0:
0x6: {  	s10 =	simm.s32 $0x0;
	s3 =	sor.u32 s1, s3;
	(pc) =	sbr.rel .LBB1_1-.Ltmp0, $4  }
0x7: {  	s0 =	rddreg [dreg:$0x2];
	_ =	strace $0x80000047;
	s3 =	sshll.u32 s3, $0x7  }
0x8: {  	s12 =	simm.s32 $0x0;
	[sflag:s4] =	ssyncpa.u1 $0x0;
	s7 =	ssub.s32 $0xF4200, s3  }
0x9: {  	s13 =	simm.s32 $0x0;
	[sflag:s6] =	ssyncpa.u1 $0x0;
	s6 =	sshrl.u32 s7, $0xC  }
0xa: {  	s5 =	sadd.s32 $0xC00, s5;
	s11 =	smov.u32 s3;
	s7 =	sadd.s32 $0x2, s6  }
.LBB1_5:
0xb: {  	p1 =	slt.u32 s13, $0x2  }
0xc: {  	s17 =	smov.u32 s15;
	p2 =	sgt.s32 @!p1 s15, $0xF41C0;
	s16 =	sshra.s32 @!p1 s15, $0x1F  }
0xd: {  	p3 =	sgt.s32 @!p1 s14, $0x40;
	s18 =	sshra.s32 @!p1 s14, $0x1F;
	p2 =	por !p2, p1  }
0xe: {  	s15 =	sand.u32 @!p1 s16, s15;
	p3 =	por !p3, p1;
	s16 =	smov.u32 s14  }
0xf: {  	s14 =	sand.u32 @!p1 s18, s14;
	s17 =	simm.s32 @p2 $0xF41C0;
	s16 =	simm.s32 @p3 $0x40  }
0x10: {  	s15 =	ssub.s32 @!p1 s17, s15;
	s14 =	ssub.s32 @!p1 s16, s14  }
0x11: {  	s18 =	smov.u32 s12;
	s16 =	sadd.s32 @!p1 $0xFFF0BE40, s15;
	s17 =	sadd.s32 @!p1 $0xFFFFFFC0, s14  }
0x12: {  	s15 =	ssub.s32 @!p1 $0xF4240, s15;
	p2 =	sgt.s32 @!p1 s16, $0x7F;
	p3 =	sgt.s32 @!p1 s17, $0x3F  }
0x13: {  	s14 =	ssub.s32 @!p1 $0x80, s14;
	p2 =	por !p2, p1;
	p3 =	por !p3, p1  }
0x14: {  	s16 =	sadd.s32 $0x1000, s11;
	s15 =	simm.s32 @!p2 $0x0;
	s14 =	simm.s32 @!p3 $0x0  }
0x15: {  	p2 =	sgt.s32 s16, $0xF423F;
	s14 =	smul.u32 @!p1 s14, s15;
	s15 =	sadd.s32 $0x40, s12  }
0x16: {  	s18 =	smov.u32 @p2 s15  }
0x17: {  	s16 =	smov.u32 @p2 s3;
	p2 =	sgt.s32 s18, $0x3F  }
0x18: {  	s18 =	simm.s32 @p2 $0x0;
	p2 =	sne.s32 s13, s7  }
.Ltmp1:
0x19: {  	p0 =	por !p0, !p0;
	s17 =	simm.s32 @!p1 $0x2;
	(pc) =	sbr.rel @!p2 .LBB1_6-.Ltmp1, $4  }
0x1a: {  	s15 =	smov.u32 s9;
	s9 =	smov.u32 s11;
	s14 =	sand.u32 @!p1 $0x3FFFFFFF, s14  }
0x1b: {  	s11 =	smov.u32 s16;
	_ =	swait.ge @!p1 [sflag:s17], s14;
	s19 =	ssub.s32 @!p1 $0x0, s14  }
0x1c: {  	s14 =	smov.u32 s10;
	s13 =	sadd.s32 $0x1, s13;
	[sflag:s17] =	ssyncset.done @!p1 $0x0  }
0x1d: {  	s10 =	smov.u32 s12;
	s12 =	smov.u32 s18;
	[sflag:s17] =	ssyncadd.s32 @!p1 s19  }
.LBB1_1:
0x1e: {  	p1 =	sgt.u32 s13, s6  }
0x1f: {  	s16 =	sshrl.u32 @!p1 s12, $0x3  }
0x20: {  	s17 =	sshll.u32 @!p1 s11, $0x3;
	s16 =	smul.u32 @!p1 $0x7A1400, s16  }
0x21: {  	s18 =	sshll.u32 @!p1 s12, $0x7;
	s17 =	sand.u32 @!p1 $0xFFFFFC00, s17  }
0x22: {  	s16 =	sadd.s32 @!p1 s16, s17;
	s17 =	sand.u32 @!p1 $0x380, s18  }
0x23: {  	s18 =	sand.u32 @!p1 $0x7F, s11;
	s16 =	sor.u32 @!p1 s17, s16  }
0x24: {  	s17 =	sor.u32 @!p1 s18, s16  }
0x25: {  	s18 =	smulhi.u32 @!p1 $0x218D6287, s17;
	_ =	sdelay $0x1  }
0x26: {  	s16 =	smulhi.u32 @!p1 $0x218D6287, s16;
	s18 =	sshrl.u32 @!p1 s18, $0x11  }
0x27: {  	s18 =	smul.u32 @!p1 $0xF4280, s18  }
0x28: {  	s19 =	sxor.u32 @!p1 $0xFFFFFFFF, s13;
	s16 =	sshrl.u32 @!p1 s16, $0x11  }
0x29: {  	s19 =	sshll.u32 @!p1 s19, $0xD;
	s16 =	sand.u32 @!p1 $0x3F, s16;
	s17 =	ssub.s32 @!p1 s17, s18  }
0x2a: {  	s16 =	smul.u32 @!p1 $0x1E850, s16;
	s18 =	sshrl.u32 @!p1 s17, $0x3;
	s17 =	sand.u32 @!p1 $0x7, s17  }
0x2b: {  	s19 =	sand.u32 @!p1 $0x2000, s19;
	s18 =	sadd.s32 @!p1 s2, s18;
	s17 =	sshll.u32 @!p1 s17, $0x12  }
0x2c: {  	s16 =	sadd.s32 @!p1 s16, s18;
	s17 =	sor.u32 @!p1 $0x400, s17;
	s18 =	simm.s32 @!p1 $0x7A1400  }
0x2d: {  	[tilespmem:s19], [sflag:$0x1] =	stream.strided.gather @!p1 [hbm4b:s16+s17], $0x2000, s18, s17, $0x38;
	[tilespmem:$0x8100] =	vst v63  }
0x2e: {  	p1 =	seq.s32 s13, $0x0  }
0x2f: {  	p2 =	sge.u32 @!p1 s13, s7  }
0x30: {  	p1 =	por p1, p2  }
.Ltmp2:
0x31: {  	_ = 	snop;
	(pc) =	sbr.rel @p1 .LBB1_5-.Ltmp2, $1  }
0x32: {  	_ =	sdelay $0x3  }
0x33: {  	s16 =	simm.s32 $0x1  }
0x34: {  	_ =	swait.ge [sflag:s4], $0x2000;
	s16 =	simm.s32 @!p0 $0x0  }
0x35: {  	[sflag:s4] =	ssyncset.done $0x0;
	s17 =	sshll.u32 s16, $0xD  }
0x36: {  	[sflag:s4] =	ssyncadd.s32 $0xFFFFE000;
	s17 =	sor.u32 $0x40, s17  }
0x37: {  	s16 =	smul.u32 $0x8200, s16;
	v0 =	vld [tilespmem:s17+$0x30]  }
0x38: {  	v1 =	vld [tilespmem:s17+$0xFFFFFFD0]  }
0x39: {  	s16 =	sshrl.u32 s16, $0x2;
	v5 =	vld [tilespmem:s17+$0xFFFFFFE0]  }
0x3a: {  	v6 =	vld [tilespmem:s17+$0xFFFFFFF0];
	s19 =	sor.u32 $0x4000, s16  }
0x3b: {  	s31 =	sand.u32 $0x1, s13;
	v4 =	vld [tilespmem:s17+$0x0];
	s18 =	sadd.s32 $0x0, s19  }
0x3c: {  	v3 =	vld [tilespmem:s17+$0x10];
	s16 =	smul.u32 $0x8200, s31;
	[tilespmem:s18+$0x1C70 ss:$0x41] =	vst.msk $0xffff, v0  }
0x3d: {  	v2 =	vld [tilespmem:s17+$0x20];
	[tilespmem:s18+$0x410 ss:$0x41] =	vst.msk $0xffff, v1  }
0x3e: {  	s16 =	sshrl.u32 s16, $0x2;
	v1 =	vld [tilespmem:s17+$0xFFFFFFC0];
	[tilespmem:s18+$0x820 ss:$0x41] =	vst.msk $0xffff, v5;
	s17 =	sadd.s32 $0x80, s17  }
0x3f: {  	s20 =	simm.s32 $0x4;
	s21 =	simm.s32 $0x8;
	s16 =	sor.u32 $0x4000, s16;
	[tilespmem:s18+$0xC30 ss:$0x41] =	vst.msk $0xffff, v6;
	v0 =	vld [tilespmem:s17+$0x30]  }
.LBB1_3:
0x40: {  	p1 =	sne.s32 s21, $0xFC;
	v5 =	vld [tilespmem:s17+$0xFFFFFFD0];
	[tilespmem:s18+$0x1040 ss:$0x41] =	vst.msk $0xffff, v4  }
0x41: {  	v6 =	vld [tilespmem:s17+$0xFFFFFFE0];
	[tilespmem:s18+$0x1450 ss:$0x41] =	vst.msk $0xffff, v3  }
0x42: {  	s22 =	sshra.s32 s20, $0x2;
	s20 =	smov.u32 s21;
	v7 =	vld [tilespmem:s17+$0xFFFFFFF0];
	[tilespmem:s18+$0x1860 ss:$0x41] =	vst.msk $0xffff, v2  }
.Ltmp3:
0x43: {  	v4 =	vld [tilespmem:s17+$0x0];
	[tilespmem:s18+$0x0 ss:$0x41] =	vst.msk $0xffff, v1;
	s18 =	sadd.s32 s22, s19;
	(pc) =	sbr.rel @p1 .LBB1_3-.Ltmp3, $4  }
0x44: {  	v3 =	vld [tilespmem:s17+$0x10];
	[tilespmem:s18+$0x1C70 ss:$0x41] =	vst.msk $0xffff, v0  }
0x45: {  	[tilespmem:s18+$0x410 ss:$0x41] =	vst.msk $0xffff, v5;
	v2 =	vld [tilespmem:s17+$0x20]  }
0x46: {  	v1 =	vld [tilespmem:s17+$0xFFFFFFC0];
	[tilespmem:s18+$0x820 ss:$0x41] =	vst.msk $0xffff, v6;
	s17 =	sadd.s32 $0x80, s17  }
0x47: {  	s21 =	sadd.s32 $0x4, s21;
	v0 =	vld [tilespmem:s17+$0x30];
	[tilespmem:s18+$0xC30 ss:$0x41] =	vst.msk $0xffff, v7  }
0x48: {  	s21 =	sshll.u32 s9, $0x7;
	s22 =	sshll.u32 s10, $0x3;
	s20 =	sshra.s32 s20, $0x2  }
0x49: {  	p1 =	sgt.s32 s9, $0xF41C0;
	s30 =	sshra.s32 s9, $0x1F;
	s25 =	sshra.s32 s10, $0x1F  }
0x4a: {  	v5 =	vld [tilespmem:s17+$0xFFFFFFD0];
	s28 =	sshrl.u32 s10, $0x3;
	s23 =	sand.u32 $0xFFFFFC00, s21;
	s22 =	sand.u32 $0xFFFFFC00, s22  }
0x4b: {  	[tilespmem:s18+$0x1040 ss:$0x41] =	vst.msk $0xffff, v4;
	v58 =	vld [tilespmem:s17+$0xFFFFFFE0];
	s21 =	sand.u32 $0x380, s21;
	s19 =	sadd.s32 s20, s19;
	s22 =	sadd.s32 s22, s23  }
0x4c: {  	v59 =	vld [tilespmem:s17+$0xFFFFFFF0];
	[tilespmem:s18+$0x1450 ss:$0x41] =	vst.msk $0xffff, v3;
	s29 =	sor.u32 s21, s22;
	s21 =	smov.u32 s9;
	s22 =	sand.u32 s30, s9  }
0x4d: {  	v60 =	vld [tilespmem:s17+$0x0];
	[tilespmem:s18+$0x1860 ss:$0x41] =	vst.msk $0xffff, v2;
	s30 =	sand.u32 $0x7, s10;
	s20 =	sshrl.u32 s29, $0x7;
	s21 =	simm.s32 @!p1 $0xF41C0  }
0x4e: {  	v61 =	vld [tilespmem:s17+$0x10];
	[tilespmem:s18+$0x0 ss:$0x41] =	vst.msk $0xffff, v1;
	p1 =	sgt.s32 s10, $0x40;
	s24 =	ssub.s32 s21, s22;
	s21 =	smov.u32 s10  }
0x4f: {  	v62 =	vld [tilespmem:s17+$0x20];
	[tilespmem:s19+$0x1C70 ss:$0x41] =	vst.msk $0xffff, v0;
	s31 =	smulhi.u32 $0x218DEF5, s20;
	s22 =	sand.u32 s25, s10;
	s21 =	simm.s32 @!p1 $0x40  }
0x50: {  	v63 =	vld [tilespmem:s17+$0xFFFFFFC0];
	[tilespmem:s19+$0x410 ss:$0x41] =	vst.msk $0xffff, v5;
	s26 =	sadd.s32 $0xFFF0BE40, s24;
	s17 =	ssub.s32 $0xF4240, s24;
	s21 =	ssub.s32 s21, s22  }
0x51: {  	[tilespmem:s19+$0x820 ss:$0x41] =	vst.msk $0xffff, v58;
	s23 =	sshrl.u32 s31, $0xD;
	p1 =	sgt.s32 s26, $0x7F;
	s27 =	sadd.s32 $0xFFFFFFC0, s21  }
0x52: {  	[tilespmem:s19+$0xC30 ss:$0x41] =	vst.msk $0xffff, v59;
	s23 =	smul.u32 $0xF4240, s23;
	s18 =	ssub.s32 $0x80, s21;
	p2 =	sgt.s32 s27, $0x3F  }
.Ltmp4:
0x53: {  	[tilespmem:s19+$0x1040 ss:$0x41] =	vst.msk $0xffff, v60;
	s17 =	simm.s32 @p1 $0x0;
	s18 =	simm.s32 @p2 $0x0;
	(pc) =	sbr.rel .LBB1_5-.Ltmp4, $4  }
0x54: {  	s29 =	sand.u32 $0xF, s28;
	[tilespmem:s19+$0x1450 ss:$0x41] =	vst.msk $0xffff, v61;
	s20 =	ssub.s32 s20, s23;
	s17 =	smul.u32 s18, s17  }
0x55: {  	[tilespmem:s19+$0x1860 ss:$0x41] =	vst.msk $0xffff, v62;
	s21 =	sshll.u32 s30, $0x12;
	s20 =	sshll.u32 s20, $0x4;
	s18 =	sadd.s32 s5, s29  }
0x56: {  	[tilespmem:s19+$0x0 ss:$0x41] =	vst.msk $0xffff, v63;
	s31 =	sor.u32 $0x40, s21;
	s18 =	sadd.s32 s20, s18;
	s17 =	sand.u32 $0x3FFFFFFF, s17  }
0x57: {  	[hbm4b:s18+s31] =	stream.strided.scatter [tilespmem:s16], [sflag:$0x2], s17, s8, s31, $0x18;
	[tilespmem:$0x8100] =	vst v63  }
.LBB1_6:
0x58: {  	_ =	sfence.sel $0x180000  }
0x59: {  	s2 =	simm.s32 $0x1;
	[bflag:$0x0] =	sbarrier.arrive $0xFFFF  }
0x5a: {  	s31 =	simm.s32 $0x2;
	[sflag:s2] =	ssyncpa.u1 $0x1  }
0x5b: {  	[sflag:s31] =	ssyncpa.u1 $0x1  }
0x5c: {  	p0 =	sne.s32 s1, $0x0;
	_ =	strace $0x90000047  }
0x5d: {  	s0 =	sadd.s32 @!p0 $0x100000, s0;
	[bflag:$0x2] =	sbarrier.arrive $0xFFFF  }
0x5e: {  	[sflag:s0] =	ssyncadd.tile.s32 @!p0 $0x1;
	_ =	shalt  }
.Lfunc_end1:
_tile_overlayer_lowered:
.L_overlay_start_2:
0x5f: {  	(tag) =	ssettag $0x2  }
0x60: {  	s0 =	rddreg [dreg:$0x0];
	s2 =	stileid.u32  }
0x61: {  	s1 =	rddreg [dreg:$0x1];
	p0 =	sne.s32 s2, $0x0  }
0x62: {  	s3 =	rddreg [dreg:$0x2];
	[bflag:$0x3] =	sbarrier.arrive $0xFFFF;
	s2 =	simm.s32 @!p0 $0x1C01  }
0x63: {  	[timem:s3], [sflag:s2] =	dma.local @!p0 [hbm:s0], s1  }
0x64: {  	s0 =	simm.s32 @!p0 $0x1  }
0x65: {  	_ =	swait.ge @!p0 [sflag:s0], s1  }
0x66: {  	s1 =	ssub.s32 @!p0 $0x0, s1;
	[sflag:s0] =	ssyncset.done @!p0 $0x0  }
0x67: {  	[sflag:s0] =	ssyncadd.s32 @!p0 s1  }
0x68: {  	[bflag:$0x3] =	sbarrier.arrive $0xFFFF  }
0x69: {  	_ =	shalt  }

// kernel: sparse-core-data-format-call.cloned.1.call-start
scs
called_computation_lowered:
.L_overlay_start_0:
0x0: {  	s2 =	sld [smem:$0x3FD9]  }
0x1: {  	s3 =	sld [smem:$0x3FFE];
	_ =	sdelay $0x1  }
0x2: {  	s1 =	srdreg.scid  }
0x3: {  	s0 =	sand.u32 $0x1, s1  }
0x4: {  	s18 =	sshll.u32 s0, $0xA;
	s2 =	sadd.s32 s3, s2  }
0x5: {  	s2 =	sadd.s32 s2, s18  }
0x6: {  	[smem:$0x3FC6] =	sst s2  }
0x7: {  	_ = 	snop  }
0x8: {  	s2 =	sld [smem:$0x3FD0];
	(tm) =	ssettm $0x1  }
0x9: {  	s19 =	sld [smem:$0x3FFB];
	_ =	sdelay $0x3  }
0xa: {  	_ =	strace s19  }
0xb: {  	s3 =	sld [smem:$0x3FFC];
	_ =	sdelay $0x3  }
0xc: {  	_ =	strace s3  }
0xd: {  	s3 =	sld [smem:$0x3FFD];
	_ =	sdelay $0x3  }
0xe: {  	_ =	strace s3  }
0xf: {  	_ =	strace $0x8FFFFFFF  }
0x10: {  	s20 =	sld [smem:$0x3FDB];
	_ =	sdelay $0x1  }
0x11: {  	s4 =	simm.s32 $_scs_section_size  }
0x12: {  	s5 =	simm.s32 $_size__tile_overlayer_lowered;
	s6 =	simm.s32 $_tile_overlayer_lowered  }
0x13: {  	s23 =	simm.s32 $0x1BFF;
	s22 =	sshll.u32 s6, $0x1;
	s3 =	sadd.s32 s4, s20  }
0x14: {  	s7 =	simm.s32 $0x0;
	s21 =	sshll.u32 s5, $0x1;
	s5 =	sadd.s32 s22, s3  }
0x15: {  	[timem:s7], [sflag:s23] =	dma.local [hbm:s5], s21  }
0x16: {  	_ =	swait.ge [sflag:s23], s21  }
0x17: {  	s4 =	ssub.s32 $0x0, s21;
	[sflag:s23] =	ssyncset.done $0x0  }
0x18: {  	[sflag:s23] =	ssyncadd.s32 s4;
	_ =	sdelay $0x1  }
0x19: {  	s24 =	simm.s32 $0x1B8B  }
0x1a: {  	_ =	swait.ge [sflag:s24], $0x1  }
0x1b: {  	[sflag:s24] =	ssyncset.done $0x0  }
0x1c: {  	s26 =	simm.s32 $0x1B8E;
	s25 =	sld [smem:$0x3FFE];
	[sflag:s24] =	ssyncadd.s32 $0xFFFFFFFF  }
0x1d: {  	s27 =	simm.s32 $execute0_lowered;
	[smem:$0x3FD2] =	sst s26  }
0x1e: {  	s5 =	sshll.u32 s27, $0x1;
	_ =	strace $0x8000004C;
	[dreg:$0x1] =	wrdreg $0xFFFFFFFF  }
0x1f: {  	s28 =	simm.s32 $_size_execute0_lowered;
	s3 =	sadd.s32 s3, s5;
	[dreg:$0x0] =	wrdreg $0x0  }
0x20: {  	s5 =	sshll.u32 s28, $0x1;
	[dreg:$0x2] =	wrdreg s3  }
0x21: {  	[dreg:$0x3] =	wrdreg s5  }
0x22: {  	[dreg:$0x4] =	wrdreg $0xC0  }
0x23: {  	_ =	task [dreg:s7], $0x5FFFF  }
0x24: {  	[dreg:$0x1] =	wrdreg $0xFFFFFFFF  }
0x25: {  	[dreg:$0x0] =	wrdreg $0x60  }
0x26: {  	[dreg:$0x2] =	wrdreg s25  }
0x27: {  	[dreg:$0x3] =	wrdreg s2  }
0x28: {  	[dreg:$0x4] =	wrdreg $0x9  }
0x29: {  	_ =	task.clear_ibuf [dreg:s7], $0x5FFFF;
	_ =	strace $0x9000004C  }
0x2a: {  	s29 =	simm.s32 $0x9;
	_ =	strace $0x8000004E  }
0x2b: {  	_ =	swait.ge [sflag:s29], $0x1  }
0x2c: {  	[sflag:s29] =	ssyncadd.s32 $0xFFFFFFFF  }
0x2d: {  	_ =	strace $0x9000004E  }
0x2e: {  	_ =	sfence  }
0x2f: {  	s30 =	sld [smem:$0x0];
	_ =	sdelay $0x2  }
0x30: {  	s31 =	sshll.u32 s1, $0xD;
	s1 =	sshrl.u32 s1, $0x2  }
0x31: {  	s3 =	sand.u32 $0x4000, s31;
	s1 =	sadd.s32 s1, s30  }
0x32: {  	s0 =	sor.u32 s3, s0;
	s1 =	sshll.u32 s1, $0x11  }
0x33: {  	s0 =	sor.u32 s1, s0  }
0x34: {  	s0 =	sadd.s32 $0x8F2B, s0  }
0x35: {  	[sflag:s0] =	ssyncadd.remote.s32 $0x1  }
0x36: {  	_ =	sfence.sel $0xFFFF  }
0x37: {  	[dreg:$0x0] =	wrdreg $0xFFFFFFFF;
	(pc) =	sbr.abs _section_cstart, $3  }
0x38: {  	[dreg:$0x1] =	wrdreg $0xFFFFFFFF  }
0x39: {  	_ =	task.clear_ibuf [dreg:s7], $0x2FFFF;
	_ =	strace $0x9FFFFFFF  }
0x3a: {  	(tm) =	ssettm $0x7FFFFFFF  }
0x3b: {  	_ =	shalt  }
tec
execute0_lowered:
.L_overlay_start_1:
0x0: {  	(tag) =	ssettag $0x1  }
0x1: {  	s0 =	srdreg.scid  }
0x2: {  	s1 =	sshll.u32 s0, $0x4  }
0x3: {  	s0 =	stileid.u32;
	s1 =	sand.u32 $0x10, s1  }
0x4: {  	s1 =	sor.u32 s0, s1  }
0x5: {  	s6 =	rddreg [dreg:$0x0];
	s4 =	simm.s32 $0x1;
	s2 =	sshll.u32 s1, $0x7  }
0x6: {  	s7 =	simm.s32 $0x2;
	s12 =	simm.s32 $0x0;
	s1 =	ssub.s32 $0x1000, s2  }
0x7: {  	s8 =	simm.s32 $0x8000;
	s13 =	simm.s32 $0x0;
	s3 =	sand.u32 $0xF80, s1  }
0x8: {  	s9 =	simm.s32 $0x0;
	s5 =	sshrl.u32 s1, $0xC;
	p0 =	sne.s32 s3, $0x0  }
.Ltmp0:
0x9: {  	s1 =	rddreg [dreg:$0x2];
	s4 =	simm.s32 @!p0 $0x0;
	(pc) =	sbr.rel .LBB1_1-.Ltmp0, $4  }
0xa: {  	s11 =	simm.s32 $0x0;
	s3 =	rddreg [dreg:$0x1];
	s5 =	sadd.s32 s4, s5  }
0xb: {  	_ =	strace $0x8000004D;
	s4 =	simm.s32 $0x1;
	s5 =	smul.u32 $0xC8, s5  }
0xc: {  	s6 =	sadd.s32 $0xC00, s6;
	s10 =	smov.u32 s2;
	[sflag:s4] =	ssyncpa.u1 $0x0  }
0xd: {  	p0 =	por $0x0, $0x0;
	[sflag:s7] =	ssyncpa.u1 $0x0;
	s7 =	sor.u32 $0x1, s5  }
.LBB1_4:
0xe: {  	s16 =	sshll.u32 s13, $0x3;
	s17 =	sand.u32 $0x78, s13  }
0xf: {  	s30 =	sand.u32 $0x7E00, s13;
	s12 =	sshll.u32 s12, $0xF;
	s16 =	sand.u32 $0xC00, s16  }
0x10: {  	[tilespmem:s15+$0x810 ss:$0x81] =	vst.msk $0xffff, v2;
	s31 =	sand.u32 $0x7, s13;
	s16 =	sor.u32 s17, s16;
	s17 =	sadd.s32 s3, s30  }
0x11: {  	[tilespmem:s15+$0x1020 ss:$0x81] =	vst.msk $0xffff, v0;
	s13 =	sshll.u32 s31, $0x12;
	s12 =	sadd.s32 s12, s17;
	s16 =	sshrl.u32 s16, $0x3  }
0x12: {  	[tilespmem:s15+$0x0 ss:$0x81] =	vst.msk $0xffff, v1;
	s13 =	sor.u32 $0x400, s13;
	s12 =	sadd.s32 s16, s12  }
0x13: {  	[hbm4b:s12+s13] =	stream.strided.scatter [tilespmem:s14], [sflag:$0x2], $0x2000, s8, s13, $0x20;
	[tilespmem:$0x8080] =	vst v63  }
.LBB1_5:
0x14: {  	s14 =	sadd.s32 $0x1, s9  }
0x15: {  	s12 =	sadd.s32 $0x1000, s10;
	s16 =	smov.u32 s10;
	p2 =	sgt.s32 s14, $0xC7  }
0x16: {  	s16 =	smov.u32 @p2 s12  }
0x17: {  	s14 =	simm.s32 @p2 $0x0;
	p2 =	sgt.s32 s16, $0xFFF  }
0x18: {  	s16 =	smov.u32 @p2 s2;
	p2 =	sne.s32 s11, s7  }
.Ltmp1:
0x19: {  	p1 =	slt.u32 s11, $0x2;
	(pc) =	sbr.rel @!p2 .LBB1_6-.Ltmp1, $4  }
0x1a: {  	s15 =	simm.s32 @!p1 $0x2  }
0x1b: {  	s13 =	smov.u32 s10;
	p0 =	por !p0, !p0;
	_ =	swait.ge @!p1 [sflag:s15], $0x2000  }
0x1c: {  	s12 =	smov.u32 s9;
	[sflag:s15] =	ssyncset.done @!p1 $0x0;
	s9 =	smov.u32 s14  }
0x1d: {  	s11 =	sadd.s32 $0x1, s11;
	[sflag:s15] =	ssyncadd.s32 @!p1 $0xFFFFE000;
	s10 =	smov.u32 s16  }
.LBB1_1:
0x1e: {  	p1 =	sge.u32 s11, s5  }
0x1f: {  	s14 =	sand.u32 @!p1 $0x1FFFFFF, s9  }
0x20: {  	s15 =	smulhi.u32 @!p1 $0x147AE15, s14;
	_ =	sdelay $0x1  }
0x21: {  	s15 =	smul.u32 @!p1 $0xC8, s15  }
0x22: {  	s16 =	sxor.u32 @!p1 $0xFFFFFFFF, s11;
	s17 =	smul.u32 @!p1 $0xC80, s10  }
0x23: {  	s31 =	sadd.s32 $0xFFFFFFFF, s11;
	s16 =	sshll.u32 @!p1 s16, $0xD;
	s14 =	ssub.s32 @!p1 s14, s15  }
0x24: {  	s15 =	sand.u32 @!p1 $0x2000, s16;
	s16 =	sadd.s32 @!p1 s6, s17;
	s14 =	sshll.u32 @!p1 s14, $0x4  }
0x25: {  	s17 =	simm.s32 @!p1 $0x6400;
	s14 =	sadd.s32 @!p1 s14, s16;
	s16 =	simm.s32 @!p1 $0x40  }
0x26: {  	[tilespmem:s15], [sflag:$0x1] =	stream.strided.gather @!p1 [hbm4b:s14+s16], $0x2000, s17, s16, $0x38;
	[tilespmem:$0x8080] =	vst v63  }
0x27: {  	p1 =	sge.u32 s31, s5  }
.Ltmp2:
0x28: {  	_ = 	snop;
	(pc) =	sbr.rel @p1 .LBB1_5-.Ltmp2, $1  }
0x29: {  	_ =	sdelay $0x3  }
0x2a: {  	s14 =	simm.s32 $0x1  }
0x2b: {  	_ =	swait.ge [sflag:s4], $0x2000;
	s14 =	simm.s32 @!p0 $0x0  }
0x2c: {  	[sflag:s4] =	ssyncset.done $0x0;
	s15 =	sshll.u32 s14, $0xD  }
0x2d: {  	[sflag:s4] =	ssyncadd.s32 $0xFFFFE000;
	s18 =	sor.u32 $0x20, s15  }
0x2e: {  	s14 =	smul.u32 $0x8100, s14;
	v3 =	vld [tilespmem:s18+$0x10]  }
0x2f: {  	s30 =	sand.u32 $0x1, s11;
	v2 =	vld [tilespmem:s18+$0xFFFFFFF0]  }
0x30: {  	s15 =	smul.u32 $0x8100, s30;
	s14 =	sshrl.u32 s14, $0x2;
	v0 =	vld [tilespmem:s18+$0x0]  }
0x31: {  	v1 =	vld [tilespmem:s18+$0xFFFFFFE0];
	s16 =	sor.u32 $0x4000, s14  }
0x32: {  	s31 =	sshrl.u32 s15, $0x2;
	s15 =	sadd.s32 $0x0, s16  }
0x33: {  	s17 =	simm.s32 $0x4;
	s18 =	sadd.s32 $0x40, s18;
	s14 =	sor.u32 $0x4000, s31;
	[tilespmem:s15+$0x1830 ss:$0x81] =	vst.msk $0xffff, v3  }
.LBB1_3:
0x34: {  	v3 =	vld [tilespmem:s18+$0x10];
	p1 =	sne.s32 s17, $0x1FC;
	[tilespmem:s15+$0x810 ss:$0x81] =	vst.msk $0xffff, v2;
	s19 =	smov.u32 s17;
	s17 =	sadd.s32 $0x4, s17  }
.Ltmp3:
0x35: {  	v2 =	vld [tilespmem:s18+$0xFFFFFFF0];
	[tilespmem:s15+$0x1020 ss:$0x81] =	vst.msk $0xffff, v0;
	(pc) =	sbr.rel @p1 .LBB1_3-.Ltmp3, $4  }
0x36: {  	v0 =	vld [tilespmem:s18+$0x0];
	[tilespmem:s15+$0x0 ss:$0x81] =	vst.msk $0xffff, v1  }
0x37: {  	s15 =	sshra.s32 s19, $0x2;
	v1 =	vld [tilespmem:s18+$0xFFFFFFE0]  }
0x38: {  	s15 =	sadd.s32 s15, s16  }
0x39: {  	s18 =	sadd.s32 $0x40, s18;
	[tilespmem:s15+$0x1830 ss:$0x81] =	vst.msk $0xffff, v3  }
.Ltmp4:
0x3a: {  	_ = 	snop;
	(pc) =	sbr.rel .LBB1_4-.Ltmp4, $1  }
0x3b: {  	_ =	sdelay $0x3  }
.LBB1_6:
0x3c: {  	_ =	sfence.sel $0x180000  }
0x3d: {  	s2 =	simm.s32 $0x1;
	[bflag:$0x0] =	sbarrier.arrive $0xFFFF  }
0x3e: {  	s31 =	simm.s32 $0x2;
	[sflag:s2] =	ssyncpa.u1 $0x1  }
0x3f: {  	[sflag:s31] =	ssyncpa.u1 $0x1  }
0x40: {  	p0 =	sne.s32 s0, $0x0;
	_ =	strace $0x9000004D  }
0x41: {  	s0 =	sadd.s32 @!p0 $0x100000, s1;
	[bflag:$0x2] =	sbarrier.arrive $0xFFFF  }
0x42: {  	[sflag:s0] =	ssyncadd.tile.s32 @!p0 $0x1;
	_ =	shalt  }
.Lfunc_end1:
_tile_overlayer_lowered:
.L_overlay_start_2:
0x43: {  	(tag) =	ssettag $0x2  }
0x44: {  	s0 =	rddreg [dreg:$0x0];
	s2 =	stileid.u32  }
0x45: {  	s1 =	rddreg [dreg:$0x1];
	p0 =	sne.s32 s2, $0x0  }
0x46: {  	s3 =	rddreg [dreg:$0x2];
	[bflag:$0x3] =	sbarrier.arrive $0xFFFF;
	s2 =	simm.s32 @!p0 $0x1C01  }
0x47: {  	[timem:s3], [sflag:s2] =	dma.local @!p0 [hbm:s0], s1  }
0x48: {  	s0 =	simm.s32 @!p0 $0x1  }
0x49: {  	_ =	swait.ge @!p0 [sflag:s0], s1  }
0x4a: {  	s1 =	ssub.s32 @!p0 $0x0, s1;
	[sflag:s0] =	ssyncset.done @!p0 $0x0  }
0x4b: {  	[sflag:s0] =	ssyncadd.s32 @!p0 s1  }
0x4c: {  	[bflag:$0x3] =	sbarrier.arrive $0xFFFF  }
0x4d: {  	_ =	shalt  }

</sc_bundles>
